<compile_context>
chip_gen: v7x
topology: tpu7x:2x2x1
jax: 0.10.2.dev20260603
libtpu: 0.0.44.dev20260713+nightly
codegen_flags: <defaults>
</compile_context>

<pallas_src>
import functools

import jax
import jax.numpy as jnp
from jax import lax
from jax.experimental import pallas as pl
from jax.experimental.pallas import tpu as pltpu
from jax.experimental.pallas import tpu_sc as plsc

N_NODES = 100000
MEM_DIM = 128
MSG_DIM = 256
B = 16384
NC = 2
NS = 16
NW = NC * NS
BPW = B // NW

_MESH = dict(core_axis_name="c", subcore_axis_name="s")


def _wid():
  return lax.axis_index("s") * NC + lax.axis_index("c")


_CH = 2048


@functools.partial(
    pl.kernel,
    out_type=jax.ShapeDtypeStruct((B, MEM_DIM), jnp.float32),
    mesh=plsc.VectorSubcoreMesh(**_MESH),
    scratch_types=[
        pltpu.VMEM((BPW,), jnp.int32),
        pltpu.VMEM((BPW, MEM_DIM), jnp.float32),
        pltpu.SemaphoreType.DMA,
    ],
)
def _sc_gather(table_hbm, idx_hbm, out_hbm, idx_v, rows_v, sem):
  base = _wid() * BPW
  pltpu.sync_copy(idx_hbm.at[pl.ds(base, BPW)], idx_v)
  pltpu.async_copy(table_hbm.at[idx_v], rows_v, sem).wait()
  pltpu.sync_copy(rows_v, out_hbm.at[pl.ds(base, BPW)])


@functools.partial(
    pl.kernel,
    out_type=jax.ShapeDtypeStruct((N_NODES,), jnp.int32),
    mesh=plsc.VectorSubcoreMesh(**_MESH),
    scratch_types=[
        pltpu.VMEM((N_NODES,), jnp.int32),
        pltpu.VMEM((B,), jnp.int32),
    ],
    compiler_params=pltpu.CompilerParams(needs_layout_passes=False),
)
def _sc_arb(idx_hbm, pos_hbm, pos_v, ids_v):
  @pl.when(_wid() == 0)
  def _():
    lanes = lax.iota(jnp.int32, 16)
    pltpu.sync_copy(idx_hbm, ids_v)

    @pl.loop(0, B // 16, unroll=8)
    def _v1(v):
      idv = ids_v[pl.ds(v * 16, 16)]
      posv = v * 16 + lanes
      plsc.store_scatter(pos_v, [idv], posv)

    pltpu.sync_copy(pos_v, pos_hbm)


_BM = 2048


def _gru_body(msg_ref, h_ref, wih_ref, whh_ref, bih_ref, bhh_ref, out_ref):
  msg = msg_ref[...]
  h = h_ref[...]
  dn = (((1,), (1,)), ((), ()))
  gi = lax.dot_general(msg, wih_ref[...], dn,
                       preferred_element_type=jnp.float32) + bih_ref[...]
  gh = lax.dot_general(h, whh_ref[...], dn,
                       preferred_element_type=jnp.float32) + bhh_ref[...]
  r = jax.nn.sigmoid(gi[:, :MEM_DIM] + gh[:, :MEM_DIM])
  z = jax.nn.sigmoid(gi[:, MEM_DIM:2 * MEM_DIM] + gh[:, MEM_DIM:2 * MEM_DIM])
  n = jnp.tanh(gi[:, 2 * MEM_DIM:] + r * gh[:, 2 * MEM_DIM:])
  out_ref[...] = (1.0 - z) * n + z * h


_tc_gru = pl.pallas_call(
    _gru_body,
    out_shape=jax.ShapeDtypeStruct((B, MEM_DIM), jnp.float32),
    grid=(B // _BM,),
    in_specs=[
        pl.BlockSpec((_BM, MSG_DIM), lambda i: (i, 0)),
        pl.BlockSpec((_BM, MEM_DIM), lambda i: (i, 0)),
        pl.BlockSpec((3 * MEM_DIM, MSG_DIM), lambda i: (0, 0)),
        pl.BlockSpec((3 * MEM_DIM, MEM_DIM), lambda i: (0, 0)),
        pl.BlockSpec((1, 3 * MEM_DIM), lambda i: (0, 0)),
        pl.BlockSpec((1, 3 * MEM_DIM), lambda i: (0, 0)),
    ],
    out_specs=pl.BlockSpec((_BM, MEM_DIM), lambda i: (i, 0)),
    compiler_params=pltpu.CompilerParams(
        dimension_semantics=("parallel",)),
)


_CPB = 10000


def _copy_body(in_ref, out_ref):
  out_ref[...] = in_ref[...]


_tc_copy = pl.pallas_call(
    _copy_body,
    out_shape=jax.ShapeDtypeStruct((N_NODES, MEM_DIM), jnp.float32),
    grid=(N_NODES // _CPB,),
    in_specs=[pl.BlockSpec((_CPB, MEM_DIM), lambda i: (i, 0))],
    out_specs=pl.BlockSpec((_CPB, MEM_DIM), lambda i: (i, 0)),
    compiler_params=pltpu.CompilerParams(
        dimension_semantics=("parallel",)),
)


_NCHUNK = 4
_CROWS = BPW // _NCHUNK


@functools.partial(
    pl.kernel,
    out_type=(),
    mesh=plsc.VectorSubcoreMesh(**_MESH),
    scratch_types=[
        pltpu.VMEM((_NCHUNK, _CROWS), jnp.int32),
        pltpu.VMEM((_NCHUNK, _CROWS), jnp.int32),
        pltpu.VMEM((BPW, MEM_DIM), jnp.float32),
        pltpu.VMEM((BPW,), jnp.float32),
        [pltpu.SemaphoreType.DMA] * _NCHUNK,
        [pltpu.SemaphoreType.DMA] * _NCHUNK,
        pltpu.SemaphoreType.DMA,
        pltpu.SemaphoreType.DMA,
    ],
)
def _sc_scatter(tab_ref, lu_ref, idx_hbm, pos_hbm, hnew_hbm, ts_hbm,
                idx_v, w_v, rows_v, ts_v, sems_w, sems_r, sem_ts, sem_s):
  wid = _wid()
  pltpu.sync_copy(idx_hbm.at[wid], idx_v)
  w_gathers = [
      pltpu.async_copy(pos_hbm.at[idx_v.at[c]], w_v.at[c], sems_w[c])
      for c in range(_NCHUNK)
  ]
  gathers = []
  for c in range(_NCHUNK):
    w_gathers[c].wait()
    gathers.append(pltpu.async_copy(
        hnew_hbm.at[w_v.at[c]], rows_v.at[pl.ds(c * _CROWS, _CROWS)],
        sems_r[c]))
  ts_gathers = [
      pltpu.async_copy(ts_hbm.at[w_v.at[c]],
                       ts_v.at[pl.ds(c * _CROWS, _CROWS)], sems_w[c])
      for c in range(_NCHUNK)
  ]
  scatters = []
  for c in range(_NCHUNK):
    gathers[c].wait()
    scatters.append(pltpu.async_copy(
        rows_v.at[pl.ds(c * _CROWS, _CROWS)], tab_ref.at[idx_v.at[c]],
        sems_r[c]))
  for c in range(_NCHUNK):
    ts_gathers[c].wait()
  ts_scatters = [
      pltpu.async_copy(ts_v.at[pl.ds(c * _CROWS, _CROWS)],
                       lu_ref.at[idx_v.at[c]], sem_s)
      for c in range(_NCHUNK)
  ]
  for c in range(_NCHUNK):
    scatters[c].wait()
    ts_scatters[c].wait()


def kernel(memory_table, last_update, unique_node_ids, unique_messages,
           timestamps, W_ih, W_hh, b_ih, b_hh):
  h = _sc_gather(memory_table, unique_node_ids)
  pos = _sc_arb(unique_node_ids)
  tab_out = _tc_copy(memory_table)
  h_new = _tc_gru(unique_messages, h, W_ih, W_hh,
                  b_ih.reshape(1, -1), b_hh.reshape(1, -1))
  tab_ref = jax.new_ref(tab_out)
  lu_ref = jax.new_ref(last_update)
  ids3 = unique_node_ids.reshape(NW, _NCHUNK, _CROWS)
  _sc_scatter(tab_ref, lu_ref, ids3, pos, h_new, timestamps)
  return tab_ref[...], lu_ref[...]

# --- scband reference (transcript-rebuilt; emitter-appended) ---
"""Pipeline reference for scband-sequence-memory-updater-36979668419203 (READ-ONLY COPY).

The authoritative reference and input builder live on the scoring server;
editing this copy changes nothing except your own understanding.
"""

import jax, jax.numpy as jnp
import numpy as np

N_NODES = 100000
MEM_DIM = 128
MSG_DIM = 256
B = 16384


def setup_inputs(seed: int = 0) -> dict:
    key = jax.random.key(seed)
    ks = jax.random.split(key, 8)
    memory_table = jax.random.normal(ks[0], (N_NODES, MEM_DIM), dtype=jnp.float32)
    last_update = jnp.zeros((N_NODES,), dtype=jnp.float32)
    unique_node_ids = jax.random.randint(ks[1], (B,), 0, N_NODES, dtype=jnp.int32)
    unique_messages = jax.random.normal(ks[2], (B, MSG_DIM), dtype=jnp.float32)
    # timestamps strictly >= last_update (== 0), mimicking monotone event times
    timestamps = jax.random.uniform(ks[3], (B,), dtype=jnp.float32) * 1000.0 + 1.0
    # GRUCell parameters (TGN uses nn.GRUCell(message_dimension, memory_dimension))
    s = 1.0 / np.sqrt(MEM_DIM)
    W_ih = jax.random.uniform(ks[4], (3 * MEM_DIM, MSG_DIM), minval=-s, maxval=s, dtype=jnp.float32)
    W_hh = jax.random.uniform(ks[5], (3 * MEM_DIM, MEM_DIM), minval=-s, maxval=s, dtype=jnp.float32)
    b_ih = jax.random.uniform(ks[6], (3 * MEM_DIM,), minval=-s, maxval=s, dtype=jnp.float32)
    b_hh = jax.random.uniform(ks[7], (3 * MEM_DIM,), minval=-s, maxval=s, dtype=jnp.float32)
    return {
        "memory_table": memory_table,
        "last_update": last_update,
        "unique_node_ids": unique_node_ids,
        "unique_messages": unique_messages,
        "timestamps": timestamps,
        "W_ih": W_ih,
        "W_hh": W_hh,
        "b_ih": b_ih,
        "b_hh": b_hh,
    }


def _gru_cell(msg, h, W_ih, W_hh, b_ih, b_hh):
    gi = msg @ W_ih.T + b_ih
    gh = h @ W_hh.T + b_hh
    i_r, i_z, i_n = jnp.split(gi, 3, axis=1)
    h_r, h_z, h_n = jnp.split(gh, 3, axis=1)
    r = jax.nn.sigmoid(i_r + h_r)
    z = jax.nn.sigmoid(i_z + h_z)
    n = jnp.tanh(i_n + r * h_n)
    return (1.0 - z) * n + z * h


def reference(memory_table, last_update, unique_node_ids, unique_messages, timestamps, W_ih, W_hh, b_ih, b_hh):
    # get_updated_memory: clone table, gather rows, GRU update, scatter back
    h = jnp.take(memory_table, unique_node_ids, axis=0)
    h_new = _gru_cell(unique_messages, h, W_ih, W_hh, b_ih, b_hh)
    updated_memory = memory_table.at[unique_node_ids].set(h_new)
    updated_last_update = last_update.at[unique_node_ids].set(timestamps)
    return (updated_memory, updated_last_update)

if __name__ == "__main__":
    import jax
    _d = setup_inputs()
    print(jax.jit(kernel)(*tuple(_d.values())))

</pallas_src>

<mosaic_0001>
#map = affine_map<(d0, d1) -> (0)>
module attributes {stable_mosaic.version = 14 : i64} {
  func.func @_sc_arb(%arg0: i32, %arg1: i32, %arg2: memref<16384xi32, #tpu.memory_space<hbm>>, %arg3: memref<100000xi32, #tpu.memory_space<hbm>>, %arg4: memref<100000xi32, #tpu.memory_space<vmem>>, %arg5: memref<16384xi32, #tpu.memory_space<vmem>>) attributes {dimension_semantics = [#tpu.dimension_semantics<core_parallel>, #tpu.dimension_semantics<subcore_parallel>], iteration_bounds = array<i64: 2, 16>, scalar_prefetch = 0 : i64, scratch_operands = 2 : i64, tpu.core_type = #tpu.core_type<sc_vector_subcore>, window_params = [{transform_indices = #map}, {transform_indices = #map}]} {
    %mul3A = arith.constant 2 : i32
    %mul3A_0 = arith.muli %arg1, %mul3A : i32
    %add3A = arith.addi %mul3A_0, %arg0 : i32
    %eq3A = arith.constant 0 : i32
    %eq3A_1 = arith.cmpi eq, %add3A, %eq3A : i32
    %convert_element_type3A = arith.extui %eq3A_1 : i1 to i32
    %cond3A = arith.constant 0 : i32
    %cond3A_2 = arith.cmpi ne, %convert_element_type3A, %cond3A : i32
    scf.if %cond3A_2 {
      %iota3A = tpu.iota {dimensions = array<i32: 0>} : vector<16xi32>
      "tpu.region"() ({
        %run_scoped3A = tpu.sem_alloc : memref<!tpu.dma_semaphore, #tpu.memory_space<semaphore_mem>>
        tpu.enqueue_dma source(%arg2 : memref<16384xi32, #tpu.memory_space<hbm>>) target(%arg5 : memref<16384xi32, #tpu.memory_space<vmem>>) target_semaphore(%run_scoped3A : memref<!tpu.dma_semaphore, #tpu.memory_space<semaphore_mem>>)
        tpu.wait_dma2 semaphore(%run_scoped3A : memref<!tpu.dma_semaphore, #tpu.memory_space<semaphore_mem>>) src(%arg2 : memref<16384xi32, #tpu.memory_space<hbm>>) dst(%arg5 : memref<16384xi32, #tpu.memory_space<vmem>>)
        tpu.yield
      }) : () -> ()
      %scan3A = arith.constant 0 : i32
      %scan3A_3 = arith.constant 1024 : i32
      %scan3A_4 = arith.addi %scan3A, %scan3A_3 : i32
      %scan3A_5 = arith.constant 8 : i32
      scf.for %scan3A_7 = %scan3A to %scan3A_4 step %scan3A_5  : i32 {
        %mul3A_8 = arith.constant 1 : i32
        %mul3A_9 = arith.muli %scan3A_7, %mul3A_8 : i32
        %add3A_10 = arith.constant 0 : i32
        %add3A_11 = arith.addi %add3A_10, %mul3A_9 : i32
        %mul3A_12 = arith.constant 16 : i32
        %mul3A_13 = arith.muli %add3A_11, %mul3A_12 : i32
        %get3A = arith.index_cast %mul3A_13 : i32 to index
        %get3A_14 = tpu.vector_load %arg5[%get3A] {strides = array<i32>} : memref<16384xi32, #tpu.memory_space<vmem>>, vector<16xi32>,
        %mul3A_15 = arith.constant 16 : i32
        %mul3A_16 = arith.muli %add3A_11, %mul3A_15 : i32
        %add3A_17 = vector.broadcast %mul3A_16 : i32 to vector<16xi32>
        %add3A_18 = arith.addi %add3A_17, %iota3A : vector<16xi32>
        tpu.vector_store_idx %arg4[%get3A_14], %add3A_18 : memref<100000xi32, #tpu.memory_space<vmem>>[vector<16xi32>], vector<16xi32>,
        %scan3A_19 = arith.constant 1 : i32
        %scan3A_20 = arith.addi %scan3A_7, %scan3A_19 : i32
        %mul3A_21 = arith.constant 1 : i32
        %mul3A_22 = arith.muli %scan3A_20, %mul3A_21 : i32
        %add3A_23 = arith.constant 0 : i32
        %add3A_24 = arith.addi %add3A_23, %mul3A_22 : i32
        %mul3A_25 = arith.constant 16 : i32
        %mul3A_26 = arith.muli %add3A_24, %mul3A_25 : i32
        %get3A_27 = arith.index_cast %mul3A_26 : i32 to index
        %get3A_28 = tpu.vector_load %arg5[%get3A_27] {strides = array<i32>} : memref<16384xi32, #tpu.memory_space<vmem>>, vector<16xi32>,
        %mul3A_29 = arith.constant 16 : i32
        %mul3A_30 = arith.muli %add3A_24, %mul3A_29 : i32
        %add3A_31 = vector.broadcast %mul3A_30 : i32 to vector<16xi32>
        %add3A_32 = arith.addi %add3A_31, %iota3A : vector<16xi32>
        tpu.vector_store_idx %arg4[%get3A_28], %add3A_32 : memref<100000xi32, #tpu.memory_space<vmem>>[vector<16xi32>], vector<16xi32>,
        %scan3A_33 = arith.constant 2 : i32
        %scan3A_34 = arith.addi %scan3A_7, %scan3A_33 : i32
        %mul3A_35 = arith.constant 1 : i32
        %mul3A_36 = arith.muli %scan3A_34, %mul3A_35 : i32
        %add3A_37 = arith.constant 0 : i32
        %add3A_38 = arith.addi %add3A_37, %mul3A_36 : i32
        %mul3A_39 = arith.constant 16 : i32
        %mul3A_40 = arith.muli %add3A_38, %mul3A_39 : i32
        %get3A_41 = arith.index_cast %mul3A_40 : i32 to index
        %get3A_42 = tpu.vector_load %arg5[%get3A_41] {strides = array<i32>} : memref<16384xi32, #tpu.memory_space<vmem>>, vector<16xi32>,
        %mul3A_43 = arith.constant 16 : i32
        %mul3A_44 = arith.muli %add3A_38, %mul3A_43 : i32
        %add3A_45 = vector.broadcast %mul3A_44 : i32 to vector<16xi32>
        %add3A_46 = arith.addi %add3A_45, %iota3A : vector<16xi32>
        tpu.vector_store_idx %arg4[%get3A_42], %add3A_46 : memref<100000xi32, #tpu.memory_space<vmem>>[vector<16xi32>], vector<16xi32>,
        %scan3A_47 = arith.constant 3 : i32
        %scan3A_48 = arith.addi %scan3A_7, %scan3A_47 : i32
        %mul3A_49 = arith.constant 1 : i32
        %mul3A_50 = arith.muli %scan3A_48, %mul3A_49 : i32
        %add3A_51 = arith.constant 0 : i32
        %add3A_52 = arith.addi %add3A_51, %mul3A_50 : i32
        %mul3A_53 = arith.constant 16 : i32
        %mul3A_54 = arith.muli %add3A_52, %mul3A_53 : i32
        %get3A_55 = arith.index_cast %mul3A_54 : i32 to index
        %get3A_56 = tpu.vector_load %arg5[%get3A_55] {strides = array<i32>} : memref<16384xi32, #tpu.memory_space<vmem>>, vector<16xi32>,
        %mul3A_57 = arith.constant 16 : i32
        %mul3A_58 = arith.muli %add3A_52, %mul3A_57 : i32
        %add3A_59 = vector.broadcast %mul3A_58 : i32 to vector<16xi32>
        %add3A_60 = arith.addi %add3A_59, %iota3A : vector<16xi32>
        tpu.vector_store_idx %arg4[%get3A_56], %add3A_60 : memref<100000xi32, #tpu.memory_space<vmem>>[vector<16xi32>], vector<16xi32>,
        %scan3A_61 = arith.constant 4 : i32
        %scan3A_62 = arith.addi %scan3A_7, %scan3A_61 : i32
        %mul3A_63 = arith.constant 1 : i32
        %mul3A_64 = arith.muli %scan3A_62, %mul3A_63 : i32
        %add3A_65 = arith.constant 0 : i32
        %add3A_66 = arith.addi %add3A_65, %mul3A_64 : i32
        %mul3A_67 = arith.constant 16 : i32
        %mul3A_68 = arith.muli %add3A_66, %mul3A_67 : i32
        %get3A_69 = arith.index_cast %mul3A_68 : i32 to index
        %get3A_70 = tpu.vector_load %arg5[%get3A_69] {strides = array<i32>} : memref<16384xi32, #tpu.memory_space<vmem>>, vector<16xi32>,
        %mul3A_71 = arith.constant 16 : i32
        %mul3A_72 = arith.muli %add3A_66, %mul3A_71 : i32
        %add3A_73 = vector.broadcast %mul3A_72 : i32 to vector<16xi32>
        %add3A_74 = arith.addi %add3A_73, %iota3A : vector<16xi32>
        tpu.vector_store_idx %arg4[%get3A_70], %add3A_74 : memref<100000xi32, #tpu.memory_space<vmem>>[vector<16xi32>], vector<16xi32>,
        %scan3A_75 = arith.constant 5 : i32
        %scan3A_76 = arith.addi %scan3A_7, %scan3A_75 : i32
        %mul3A_77 = arith.constant 1 : i32
        %mul3A_78 = arith.muli %scan3A_76, %mul3A_77 : i32
        %add3A_79 = arith.constant 0 : i32
        %add3A_80 = arith.addi %add3A_79, %mul3A_78 : i32
        %mul3A_81 = arith.constant 16 : i32
        %mul3A_82 = arith.muli %add3A_80, %mul3A_81 : i32
        %get3A_83 = arith.index_cast %mul3A_82 : i32 to index
        %get3A_84 = tpu.vector_load %arg5[%get3A_83] {strides = array<i32>} : memref<16384xi32, #tpu.memory_space<vmem>>, vector<16xi32>,
        %mul3A_85 = arith.constant 16 : i32
        %mul3A_86 = arith.muli %add3A_80, %mul3A_85 : i32
        %add3A_87 = vector.broadcast %mul3A_86 : i32 to vector<16xi32>
        %add3A_88 = arith.addi %add3A_87, %iota3A : vector<16xi32>
        tpu.vector_store_idx %arg4[%get3A_84], %add3A_88 : memref<100000xi32, #tpu.memory_space<vmem>>[vector<16xi32>], vector<16xi32>,
        %scan3A_89 = arith.constant 6 : i32
        %scan3A_90 = arith.addi %scan3A_7, %scan3A_89 : i32
        %mul3A_91 = arith.constant 1 : i32
        %mul3A_92 = arith.muli %scan3A_90, %mul3A_91 : i32
        %add3A_93 = arith.constant 0 : i32
        %add3A_94 = arith.addi %add3A_93, %mul3A_92 : i32
        %mul3A_95 = arith.constant 16 : i32
        %mul3A_96 = arith.muli %add3A_94, %mul3A_95 : i32
        %get3A_97 = arith.index_cast %mul3A_96 : i32 to index
        %get3A_98 = tpu.vector_load %arg5[%get3A_97] {strides = array<i32>} : memref<16384xi32, #tpu.memory_space<vmem>>, vector<16xi32>,
        %mul3A_99 = arith.constant 16 : i32
        %mul3A_100 = arith.muli %add3A_94, %mul3A_99 : i32
        %add3A_101 = vector.broadcast %mul3A_100 : i32 to vector<16xi32>
        %add3A_102 = arith.addi %add3A_101, %iota3A : vector<16xi32>
        tpu.vector_store_idx %arg4[%get3A_98], %add3A_102 : memref<100000xi32, #tpu.memory_space<vmem>>[vector<16xi32>], vector<16xi32>,
        %scan3A_103 = arith.constant 7 : i32
        %scan3A_104 = arith.addi %scan3A_7, %scan3A_103 : i32
        %mul3A_105 = arith.constant 1 : i32
        %mul3A_106 = arith.muli %scan3A_104, %mul3A_105 : i32
        %add3A_107 = arith.constant 0 : i32
        %add3A_108 = arith.addi %add3A_107, %mul3A_106 : i32
        %mul3A_109 = arith.constant 16 : i32
        %mul3A_110 = arith.muli %add3A_108, %mul3A_109 : i32
        %get3A_111 = arith.index_cast %mul3A_110 : i32 to index
        %get3A_112 = tpu.vector_load %arg5[%get3A_111] {strides = array<i32>} : memref<16384xi32, #tpu.memory_space<vmem>>, vector<16xi32>,
        %mul3A_113 = arith.constant 16 : i32
        %mul3A_114 = arith.muli %add3A_108, %mul3A_113 : i32
        %add3A_115 = vector.broadcast %mul3A_114 : i32 to vector<16xi32>
        %add3A_116 = arith.addi %add3A_115, %iota3A : vector<16xi32>
        tpu.vector_store_idx %arg4[%get3A_112], %add3A_116 : memref<100000xi32, #tpu.memory_space<vmem>>[vector<16xi32>], vector<16xi32>,
      }
      %scan3A_6 = arith.constant 1024 : i32
      "tpu.region"() ({
        %run_scoped3A = tpu.sem_alloc : memref<!tpu.dma_semaphore, #tpu.memory_space<semaphore_mem>>
        tpu.enqueue_dma source(%arg4 : memref<100000xi32, #tpu.memory_space<vmem>>) target(%arg3 : memref<100000xi32, #tpu.memory_space<hbm>>) target_semaphore(%run_scoped3A : memref<!tpu.dma_semaphore, #tpu.memory_space<semaphore_mem>>)
        tpu.wait_dma2 semaphore(%run_scoped3A : memref<!tpu.dma_semaphore, #tpu.memory_space<semaphore_mem>>) src(%arg4 : memref<100000xi32, #tpu.memory_space<vmem>>) dst(%arg3 : memref<100000xi32, #tpu.memory_space<hbm>>)
        tpu.yield
      }) : () -> ()
    } else {
    }
    return
  }
}

#map = affine_map<(d0, d1) -> (0, 0)>
#map1 = affine_map<(d0, d1) -> (0)>
#map2 = affine_map<(d0, d1) -> (0, 0, 0)>
module attributes {stable_mosaic.version = 14 : i64} {
  func.func @new_body(%arg0: i32, %arg1: i32, %arg2: memref<100000x128xf32, #tpu.memory_space<hbm>>, %arg3: memref<100000xf32, #tpu.memory_space<hbm>>, %arg4: memref<32x4x128xi32, #tpu.memory_space<hbm>>, %arg5: memref<100000xi32, #tpu.memory_space<hbm>>, %arg6: memref<16384x128xf32, #tpu.memory_space<hbm>>, %arg7: memref<16384xf32, #tpu.memory_space<hbm>>, %arg8: memref<100000x128xf32, #tpu.memory_space<hbm>>, %arg9: memref<100000xf32, #tpu.memory_space<hbm>>, %arg10: memref<4x128xi32, #tpu.memory_space<vmem>>, %arg11: memref<4x128xi32, #tpu.memory_space<vmem>>, %arg12: memref<512x128xf32, #tpu.memory_space<vmem>>, %arg13: memref<512xf32, #tpu.memory_space<vmem>>, %arg14: memref<!tpu.dma_semaphore, #tpu.memory_space<semaphore_mem>>, %arg15: memref<!tpu.dma_semaphore, #tpu.memory_space<semaphore_mem>>, %arg16: memref<!tpu.dma_semaphore, #tpu.memory_space<semaphore_mem>>, %arg17: memref<!tpu.dma_semaphore, #tpu.memory_space<semaphore_mem>>, %arg18: memref<!tpu.dma_semaphore, #tpu.memory_space<semaphore_mem>>, %arg19: memref<!tpu.dma_semaphore, #tpu.memory_space<semaphore_mem>>, %arg20: memref<!tpu.dma_semaphore, #tpu.memory_space<semaphore_mem>>, %arg21: memref<!tpu.dma_semaphore, #tpu.memory_space<semaphore_mem>>, %arg22: memref<!tpu.dma_semaphore, #tpu.memory_space<semaphore_mem>>, %arg23: memref<!tpu.dma_semaphore, #tpu.memory_space<semaphore_mem>>) attributes {dimension_semantics = [#tpu.dimension_semantics<core_parallel>, #tpu.dimension_semantics<subcore_parallel>], iteration_bounds = array<i64: 2, 16>, scalar_prefetch = 0 : i64, scratch_operands = 14 : i64, tpu.core_type = #tpu.core_type<sc_vector_subcore>, window_params = [{transform_indices = #map}, {transform_indices = #map1}, {transform_indices = #map2}, {transform_indices = #map1}, {transform_indices = #map}, {transform_indices = #map1}, {transform_indices = #map}, {transform_indices = #map1}]} {
    %mul3A = arith.constant 2 : i32
    %mul3A_0 = arith.muli %arg1, %mul3A : i32
    %add3A = arith.addi %mul3A_0, %arg0 : i32
    "tpu.region"() ({
      %run_scoped3A = tpu.sem_alloc : memref<!tpu.dma_semaphore, #tpu.memory_space<semaphore_mem>>
      %dma_start3A_367 = arith.constant 0 : i32
      %dma_start3A_368 = arith.constant 0 : i32
      %dma_start3A_369 = tpu.memref_slice %arg4[%add3A, %dma_start3A_367, %dma_start3A_368] : memref<32x4x128xi32, #tpu.memory_space<hbm>> -> memref<1x4x128xi32, #tpu.memory_space<hbm>>
      %dma_start3A_370 = tpu.memref_squeeze %dma_start3A_369 : memref<1x4x128xi32, #tpu.memory_space<hbm>> -> memref<4x128xi32, #tpu.memory_space<hbm>>
      %dma_start3A_371 = arith.constant 0 : i32
      %dma_start3A_372 = arith.constant 0 : i32
      %dma_start3A_373 = tpu.memref_slice %arg4[%add3A, %dma_start3A_371, %dma_start3A_372] : memref<32x4x128xi32, #tpu.memory_space<hbm>> -> memref<1x4x128xi32, #tpu.memory_space<hbm>>
      %dma_start3A_374 = tpu.memref_squeeze %dma_start3A_373 : memref<1x4x128xi32, #tpu.memory_space<hbm>> -> memref<4x128xi32, #tpu.memory_space<hbm>>
      tpu.enqueue_dma source(%dma_start3A_374 : memref<4x128xi32, #tpu.memory_space<hbm>>) target(%arg10 : memref<4x128xi32, #tpu.memory_space<vmem>>) target_semaphore(%run_scoped3A : memref<!tpu.dma_semaphore, #tpu.memory_space<semaphore_mem>>)
      %dma_wait3A_375 = arith.constant 0 : i32
      %dma_wait3A_376 = arith.constant 0 : i32
      %dma_wait3A_377 = tpu.memref_slice %arg4[%add3A, %dma_wait3A_375, %dma_wait3A_376] : memref<32x4x128xi32, #tpu.memory_space<hbm>> -> memref<1x4x128xi32, #tpu.memory_space<hbm>>
      %dma_wait3A_378 = tpu.memref_squeeze %dma_wait3A_377 : memref<1x4x128xi32, #tpu.memory_space<hbm>> -> memref<4x128xi32, #tpu.memory_space<hbm>>
      %dma_wait3A_379 = arith.constant 0 : i32
      %dma_wait3A_380 = arith.constant 0 : i32
      %dma_wait3A_381 = tpu.memref_slice %arg4[%add3A, %dma_wait3A_379, %dma_wait3A_380] : memref<32x4x128xi32, #tpu.memory_space<hbm>> -> memref<1x4x128xi32, #tpu.memory_space<hbm>>
      %dma_wait3A_382 = tpu.memref_squeeze %dma_wait3A_381 : memref<1x4x128xi32, #tpu.memory_space<hbm>> -> memref<4x128xi32, #tpu.memory_space<hbm>>
      tpu.wait_dma2 semaphore(%run_scoped3A : memref<!tpu.dma_semaphore, #tpu.memory_space<semaphore_mem>>) src(%dma_wait3A_382 : memref<4x128xi32, #tpu.memory_space<hbm>>) dst(%arg10 : memref<4x128xi32, #tpu.memory_space<vmem>>)
      tpu.yield
    }) : () -> ()
    %dma_start3A = arith.constant 0 : i32
    %dma_start3A_1 = arith.constant 0 : i32
    %dma_start3A_2 = arith.constant 0 : i32
    %dma_start3A_3 = tpu.memref_slice %arg11[%dma_start3A_1, %dma_start3A_2] : memref<4x128xi32, #tpu.memory_space<vmem>> -> memref<1x128xi32, #tpu.memory_space<vmem>>
    %dma_start3A_4 = tpu.memref_squeeze %dma_start3A_3 : memref<1x128xi32, #tpu.memory_space<vmem>> -> memref<128xi32, #tpu.memory_space<vmem>>
    %dma_start3A_5 = arith.constant 0 : i32
    %dma_start3A_6 = tpu.memref_slice %arg10[%dma_start3A, %dma_start3A_5] : memref<4x128xi32, #tpu.memory_space<vmem>> -> memref<1x128xi32, #tpu.memory_space<vmem>>
    %dma_start3A_7 = tpu.memref_squeeze %dma_start3A_6 : memref<1x128xi32, #tpu.memory_space<vmem>> -> memref<128xi32, #tpu.memory_space<vmem>>
    %dma_start3A_8 = arith.constant 0 : i32
    %dma_start3A_9 = tpu.memref_slice %arg5[%dma_start3A_8] : memref<100000xi32, #tpu.memory_space<hbm>> -> memref<100000xi32, #tpu.memory_space<hbm>>
    tpu.enqueue_indirect_dma source(%dma_start3A_9 : memref<100000xi32, #tpu.memory_space<hbm>>) target(%dma_start3A_4 : memref<128xi32, #tpu.memory_space<vmem>>) offsets(%dma_start3A_7 : memref<128xi32, #tpu.memory_space<vmem>>) semaphore(%arg14 : memref<!tpu.dma_semaphore, #tpu.memory_space<semaphore_mem>>)
    %dma_start3A_10 = arith.constant 1 : i32
    %dma_start3A_11 = arith.constant 1 : i32
    %dma_start3A_12 = arith.constant 0 : i32
    %dma_start3A_13 = tpu.memref_slice %arg11[%dma_start3A_11, %dma_start3A_12] : memref<4x128xi32, #tpu.memory_space<vmem>> -> memref<1x128xi32, #tpu.memory_space<vmem>>
    %dma_start3A_14 = tpu.memref_squeeze %dma_start3A_13 : memref<1x128xi32, #tpu.memory_space<vmem>> -> memref<128xi32, #tpu.memory_space<vmem>>
    %dma_start3A_15 = arith.constant 0 : i32
    %dma_start3A_16 = tpu.memref_slice %arg10[%dma_start3A_10, %dma_start3A_15] : memref<4x128xi32, #tpu.memory_space<vmem>> -> memref<1x128xi32, #tpu.memory_space<vmem>>
    %dma_start3A_17 = tpu.memref_squeeze %dma_start3A_16 : memref<1x128xi32, #tpu.memory_space<vmem>> -> memref<128xi32, #tpu.memory_space<vmem>>
    %dma_start3A_18 = arith.constant 0 : i32
    %dma_start3A_19 = tpu.memref_slice %arg5[%dma_start3A_18] : memref<100000xi32, #tpu.memory_space<hbm>> -> memref<100000xi32, #tpu.memory_space<hbm>>
    tpu.enqueue_indirect_dma source(%dma_start3A_19 : memref<100000xi32, #tpu.memory_space<hbm>>) target(%dma_start3A_14 : memref<128xi32, #tpu.memory_space<vmem>>) offsets(%dma_start3A_17 : memref<128xi32, #tpu.memory_space<vmem>>) semaphore(%arg15 : memref<!tpu.dma_semaphore, #tpu.memory_space<semaphore_mem>>)
    %dma_start3A_20 = arith.constant 2 : i32
    %dma_start3A_21 = arith.constant 2 : i32
    %dma_start3A_22 = arith.constant 0 : i32
    %dma_start3A_23 = tpu.memref_slice %arg11[%dma_start3A_21, %dma_start3A_22] : memref<4x128xi32, #tpu.memory_space<vmem>> -> memref<1x128xi32, #tpu.memory_space<vmem>>
    %dma_start3A_24 = tpu.memref_squeeze %dma_start3A_23 : memref<1x128xi32, #tpu.memory_space<vmem>> -> memref<128xi32, #tpu.memory_space<vmem>>
    %dma_start3A_25 = arith.constant 0 : i32
    %dma_start3A_26 = tpu.memref_slice %arg10[%dma_start3A_20, %dma_start3A_25] : memref<4x128xi32, #tpu.memory_space<vmem>> -> memref<1x128xi32, #tpu.memory_space<vmem>>
    %dma_start3A_27 = tpu.memref_squeeze %dma_start3A_26 : memref<1x128xi32, #tpu.memory_space<vmem>> -> memref<128xi32, #tpu.memory_space<vmem>>
    %dma_start3A_28 = arith.constant 0 : i32
    %dma_start3A_29 = tpu.memref_slice %arg5[%dma_start3A_28] : memref<100000xi32, #tpu.memory_space<hbm>> -> memref<100000xi32, #tpu.memory_space<hbm>>
    tpu.enqueue_indirect_dma source(%dma_start3A_29 : memref<100000xi32, #tpu.memory_space<hbm>>) target(%dma_start3A_24 : memref<128xi32, #tpu.memory_space<vmem>>) offsets(%dma_start3A_27 : memref<128xi32, #tpu.memory_space<vmem>>) semaphore(%arg16 : memref<!tpu.dma_semaphore, #tpu.memory_space<semaphore_mem>>)
    %dma_start3A_30 = arith.constant 3 : i32
    %dma_start3A_31 = arith.constant 3 : i32
    %dma_start3A_32 = arith.constant 0 : i32
    %dma_start3A_33 = tpu.memref_slice %arg11[%dma_start3A_31, %dma_start3A_32] : memref<4x128xi32, #tpu.memory_space<vmem>> -> memref<1x128xi32, #tpu.memory_space<vmem>>
    %dma_start3A_34 = tpu.memref_squeeze %dma_start3A_33 : memref<1x128xi32, #tpu.memory_space<vmem>> -> memref<128xi32, #tpu.memory_space<vmem>>
    %dma_start3A_35 = arith.constant 0 : i32
    %dma_start3A_36 = tpu.memref_slice %arg10[%dma_start3A_30, %dma_start3A_35] : memref<4x128xi32, #tpu.memory_space<vmem>> -> memref<1x128xi32, #tpu.memory_space<vmem>>
    %dma_start3A_37 = tpu.memref_squeeze %dma_start3A_36 : memref<1x128xi32, #tpu.memory_space<vmem>> -> memref<128xi32, #tpu.memory_space<vmem>>
    %dma_start3A_38 = arith.constant 0 : i32
    %dma_start3A_39 = tpu.memref_slice %arg5[%dma_start3A_38] : memref<100000xi32, #tpu.memory_space<hbm>> -> memref<100000xi32, #tpu.memory_space<hbm>>
    tpu.enqueue_indirect_dma source(%dma_start3A_39 : memref<100000xi32, #tpu.memory_space<hbm>>) target(%dma_start3A_34 : memref<128xi32, #tpu.memory_space<vmem>>) offsets(%dma_start3A_37 : memref<128xi32, #tpu.memory_space<vmem>>) semaphore(%arg17 : memref<!tpu.dma_semaphore, #tpu.memory_space<semaphore_mem>>)
    %dma_wait3A = arith.constant 0 : i32
    %dma_wait3A_40 = arith.constant 0 : i32
    %dma_wait3A_41 = arith.constant 0 : i32
    %dma_wait3A_42 = tpu.memref_slice %arg11[%dma_wait3A_40, %dma_wait3A_41] : memref<4x128xi32, #tpu.memory_space<vmem>> -> memref<1x128xi32, #tpu.memory_space<vmem>>
    %dma_wait3A_43 = tpu.memref_squeeze %dma_wait3A_42 : memref<1x128xi32, #tpu.memory_space<vmem>> -> memref<128xi32, #tpu.memory_space<vmem>>
    %dma_wait3A_44 = arith.constant 0 : i32
    %dma_wait3A_45 = tpu.memref_slice %arg10[%dma_wait3A, %dma_wait3A_44] : memref<4x128xi32, #tpu.memory_space<vmem>> -> memref<1x128xi32, #tpu.memory_space<vmem>>
    %dma_wait3A_46 = tpu.memref_squeeze %dma_wait3A_45 : memref<1x128xi32, #tpu.memory_space<vmem>> -> memref<128xi32, #tpu.memory_space<vmem>>
    %dma_wait3A_47 = arith.constant 0 : i32
    %dma_wait3A_48 = tpu.memref_slice %arg5[%dma_wait3A_47] : memref<100000xi32, #tpu.memory_space<hbm>> -> memref<100000xi32, #tpu.memory_space<hbm>>
    tpu.wait_indirect_dma semaphore(%arg14 : memref<!tpu.dma_semaphore, #tpu.memory_space<semaphore_mem>>) src(%dma_wait3A_48 : memref<100000xi32, #tpu.memory_space<hbm>>) dst(%dma_wait3A_43 : memref<128xi32, #tpu.memory_space<vmem>>)
    %dma_start3A_49 = arith.constant 0 : i32
    %dma_start3A_50 = arith.constant 0 : i32
    %dma_start3A_51 = arith.constant 0 : i32
    %dma_start3A_52 = tpu.memref_slice %arg12[%dma_start3A_50, %dma_start3A_51] : memref<512x128xf32, #tpu.memory_space<vmem>> -> memref<128x128xf32, #tpu.memory_space<vmem>>
    %dma_start3A_53 = arith.constant 0 : i32
    %dma_start3A_54 = tpu.memref_slice %arg11[%dma_start3A_49, %dma_start3A_53] : memref<4x128xi32, #tpu.memory_space<vmem>> -> memref<1x128xi32, #tpu.memory_space<vmem>>
    %dma_start3A_55 = tpu.memref_squeeze %dma_start3A_54 : memref<1x128xi32, #tpu.memory_space<vmem>> -> memref<128xi32, #tpu.memory_space<vmem>>
    %dma_start3A_56 = arith.constant 0 : i32
    %dma_start3A_57 = arith.constant 0 : i32
    %dma_start3A_58 = tpu.memref_slice %arg6[%dma_start3A_56, %dma_start3A_57] : memref<16384x128xf32, #tpu.memory_space<hbm>> -> memref<16384x128xf32, #tpu.memory_space<hbm>>
    tpu.enqueue_indirect_dma source(%dma_start3A_58 : memref<16384x128xf32, #tpu.memory_space<hbm>>) target(%dma_start3A_52 : memref<128x128xf32, #tpu.memory_space<vmem>>) offsets(%dma_start3A_55 : memref<128xi32, #tpu.memory_space<vmem>>) semaphore(%arg18 : memref<!tpu.dma_semaphore, #tpu.memory_space<semaphore_mem>>)
    %dma_wait3A_59 = arith.constant 1 : i32
    %dma_wait3A_60 = arith.constant 1 : i32
    %dma_wait3A_61 = arith.constant 0 : i32
    %dma_wait3A_62 = tpu.memref_slice %arg11[%dma_wait3A_60, %dma_wait3A_61] : memref<4x128xi32, #tpu.memory_space<vmem>> -> memref<1x128xi32, #tpu.memory_space<vmem>>
    %dma_wait3A_63 = tpu.memref_squeeze %dma_wait3A_62 : memref<1x128xi32, #tpu.memory_space<vmem>> -> memref<128xi32, #tpu.memory_space<vmem>>
    %dma_wait3A_64 = arith.constant 0 : i32
    %dma_wait3A_65 = tpu.memref_slice %arg10[%dma_wait3A_59, %dma_wait3A_64] : memref<4x128xi32, #tpu.memory_space<vmem>> -> memref<1x128xi32, #tpu.memory_space<vmem>>
    %dma_wait3A_66 = tpu.memref_squeeze %dma_wait3A_65 : memref<1x128xi32, #tpu.memory_space<vmem>> -> memref<128xi32, #tpu.memory_space<vmem>>
    %dma_wait3A_67 = arith.constant 0 : i32
    %dma_wait3A_68 = tpu.memref_slice %arg5[%dma_wait3A_67] : memref<100000xi32, #tpu.memory_space<hbm>> -> memref<100000xi32, #tpu.memory_space<hbm>>
    tpu.wait_indirect_dma semaphore(%arg15 : memref<!tpu.dma_semaphore, #tpu.memory_space<semaphore_mem>>) src(%dma_wait3A_68 : memref<100000xi32, #tpu.memory_space<hbm>>) dst(%dma_wait3A_63 : memref<128xi32, #tpu.memory_space<vmem>>)
    %dma_start3A_69 = arith.constant 1 : i32
    %dma_start3A_70 = arith.constant 128 : i32
    %dma_start3A_71 = arith.constant 0 : i32
    %dma_start3A_72 = tpu.memref_slice %arg12[%dma_start3A_70, %dma_start3A_71] : memref<512x128xf32, #tpu.memory_space<vmem>> -> memref<128x128xf32, #tpu.memory_space<vmem>>
    %dma_start3A_73 = arith.constant 0 : i32
    %dma_start3A_74 = tpu.memref_slice %arg11[%dma_start3A_69, %dma_start3A_73] : memref<4x128xi32, #tpu.memory_space<vmem>> -> memref<1x128xi32, #tpu.memory_space<vmem>>
    %dma_start3A_75 = tpu.memref_squeeze %dma_start3A_74 : memref<1x128xi32, #tpu.memory_space<vmem>> -> memref<128xi32, #tpu.memory_space<vmem>>
    %dma_start3A_76 = arith.constant 0 : i32
    %dma_start3A_77 = arith.constant 0 : i32
    %dma_start3A_78 = tpu.memref_slice %arg6[%dma_start3A_76, %dma_start3A_77] : memref<16384x128xf32, #tpu.memory_space<hbm>> -> memref<16384x128xf32, #tpu.memory_space<hbm>>
    tpu.enqueue_indirect_dma source(%dma_start3A_78 : memref<16384x128xf32, #tpu.memory_space<hbm>>) target(%dma_start3A_72 : memref<128x128xf32, #tpu.memory_space<vmem>>) offsets(%dma_start3A_75 : memref<128xi32, #tpu.memory_space<vmem>>) semaphore(%arg19 : memref<!tpu.dma_semaphore, #tpu.memory_space<semaphore_mem>>)
    %dma_wait3A_79 = arith.constant 2 : i32
    %dma_wait3A_80 = arith.constant 2 : i32
    %dma_wait3A_81 = arith.constant 0 : i32
    %dma_wait3A_82 = tpu.memref_slice %arg11[%dma_wait3A_80, %dma_wait3A_81] : memref<4x128xi32, #tpu.memory_space<vmem>> -> memref<1x128xi32, #tpu.memory_space<vmem>>
    %dma_wait3A_83 = tpu.memref_squeeze %dma_wait3A_82 : memref<1x128xi32, #tpu.memory_space<vmem>> -> memref<128xi32, #tpu.memory_space<vmem>>
    %dma_wait3A_84 = arith.constant 0 : i32
    %dma_wait3A_85 = tpu.memref_slice %arg10[%dma_wait3A_79, %dma_wait3A_84] : memref<4x128xi32, #tpu.memory_space<vmem>> -> memref<1x128xi32, #tpu.memory_space<vmem>>
    %dma_wait3A_86 = tpu.memref_squeeze %dma_wait3A_85 : memref<1x128xi32, #tpu.memory_space<vmem>> -> memref<128xi32, #tpu.memory_space<vmem>>
    %dma_wait3A_87 = arith.constant 0 : i32
    %dma_wait3A_88 = tpu.memref_slice %arg5[%dma_wait3A_87] : memref<100000xi32, #tpu.memory_space<hbm>> -> memref<100000xi32, #tpu.memory_space<hbm>>
    tpu.wait_indirect_dma semaphore(%arg16 : memref<!tpu.dma_semaphore, #tpu.memory_space<semaphore_mem>>) src(%dma_wait3A_88 : memref<100000xi32, #tpu.memory_space<hbm>>) dst(%dma_wait3A_83 : memref<128xi32, #tpu.memory_space<vmem>>)
    %dma_start3A_89 = arith.constant 2 : i32
    %dma_start3A_90 = arith.constant 256 : i32
    %dma_start3A_91 = arith.constant 0 : i32
    %dma_start3A_92 = tpu.memref_slice %arg12[%dma_start3A_90, %dma_start3A_91] : memref<512x128xf32, #tpu.memory_space<vmem>> -> memref<128x128xf32, #tpu.memory_space<vmem>>
    %dma_start3A_93 = arith.constant 0 : i32
    %dma_start3A_94 = tpu.memref_slice %arg11[%dma_start3A_89, %dma_start3A_93] : memref<4x128xi32, #tpu.memory_space<vmem>> -> memref<1x128xi32, #tpu.memory_space<vmem>>
    %dma_start3A_95 = tpu.memref_squeeze %dma_start3A_94 : memref<1x128xi32, #tpu.memory_space<vmem>> -> memref<128xi32, #tpu.memory_space<vmem>>
    %dma_start3A_96 = arith.constant 0 : i32
    %dma_start3A_97 = arith.constant 0 : i32
    %dma_start3A_98 = tpu.memref_slice %arg6[%dma_start3A_96, %dma_start3A_97] : memref<16384x128xf32, #tpu.memory_space<hbm>> -> memref<16384x128xf32, #tpu.memory_space<hbm>>
    tpu.enqueue_indirect_dma source(%dma_start3A_98 : memref<16384x128xf32, #tpu.memory_space<hbm>>) target(%dma_start3A_92 : memref<128x128xf32, #tpu.memory_space<vmem>>) offsets(%dma_start3A_95 : memref<128xi32, #tpu.memory_space<vmem>>) semaphore(%arg20 : memref<!tpu.dma_semaphore, #tpu.memory_space<semaphore_mem>>)
    %dma_wait3A_99 = arith.constant 3 : i32
    %dma_wait3A_100 = arith.constant 3 : i32
    %dma_wait3A_101 = arith.constant 0 : i32
    %dma_wait3A_102 = tpu.memref_slice %arg11[%dma_wait3A_100, %dma_wait3A_101] : memref<4x128xi32, #tpu.memory_space<vmem>> -> memref<1x128xi32, #tpu.memory_space<vmem>>
    %dma_wait3A_103 = tpu.memref_squeeze %dma_wait3A_102 : memref<1x128xi32, #tpu.memory_space<vmem>> -> memref<128xi32, #tpu.memory_space<vmem>>
    %dma_wait3A_104 = arith.constant 0 : i32
    %dma_wait3A_105 = tpu.memref_slice %arg10[%dma_wait3A_99, %dma_wait3A_104] : memref<4x128xi32, #tpu.memory_space<vmem>> -> memref<1x128xi32, #tpu.memory_space<vmem>>
    %dma_wait3A_106 = tpu.memref_squeeze %dma_wait3A_105 : memref<1x128xi32, #tpu.memory_space<vmem>> -> memref<128xi32, #tpu.memory_space<vmem>>
    %dma_wait3A_107 = arith.constant 0 : i32
    %dma_wait3A_108 = tpu.memref_slice %arg5[%dma_wait3A_107] : memref<100000xi32, #tpu.memory_space<hbm>> -> memref<100000xi32, #tpu.memory_space<hbm>>
    tpu.wait_indirect_dma semaphore(%arg17 : memref<!tpu.dma_semaphore, #tpu.memory_space<semaphore_mem>>) src(%dma_wait3A_108 : memref<100000xi32, #tpu.memory_space<hbm>>) dst(%dma_wait3A_103 : memref<128xi32, #tpu.memory_space<vmem>>)
    %dma_start3A_109 = arith.constant 3 : i32
    %dma_start3A_110 = arith.constant 384 : i32
    %dma_start3A_111 = arith.constant 0 : i32
    %dma_start3A_112 = tpu.memref_slice %arg12[%dma_start3A_110, %dma_start3A_111] : memref<512x128xf32, #tpu.memory_space<vmem>> -> memref<128x128xf32, #tpu.memory_space<vmem>>
    %dma_start3A_113 = arith.constant 0 : i32
    %dma_start3A_114 = tpu.memref_slice %arg11[%dma_start3A_109, %dma_start3A_113] : memref<4x128xi32, #tpu.memory_space<vmem>> -> memref<1x128xi32, #tpu.memory_space<vmem>>
    %dma_start3A_115 = tpu.memref_squeeze %dma_start3A_114 : memref<1x128xi32, #tpu.memory_space<vmem>> -> memref<128xi32, #tpu.memory_space<vmem>>
    %dma_start3A_116 = arith.constant 0 : i32
    %dma_start3A_117 = arith.constant 0 : i32
    %dma_start3A_118 = tpu.memref_slice %arg6[%dma_start3A_116, %dma_start3A_117] : memref<16384x128xf32, #tpu.memory_space<hbm>> -> memref<16384x128xf32, #tpu.memory_space<hbm>>
    tpu.enqueue_indirect_dma source(%dma_start3A_118 : memref<16384x128xf32, #tpu.memory_space<hbm>>) target(%dma_start3A_112 : memref<128x128xf32, #tpu.memory_space<vmem>>) offsets(%dma_start3A_115 : memref<128xi32, #tpu.memory_space<vmem>>) semaphore(%arg21 : memref<!tpu.dma_semaphore, #tpu.memory_space<semaphore_mem>>)
    %dma_start3A_119 = arith.constant 0 : i32
    %dma_start3A_120 = arith.constant 0 : i32
    %dma_start3A_121 = tpu.memref_slice %arg13[%dma_start3A_120] : memref<512xf32, #tpu.memory_space<vmem>> -> memref<128xf32, #tpu.memory_space<vmem>>
    %dma_start3A_122 = arith.constant 0 : i32
    %dma_start3A_123 = tpu.memref_slice %arg11[%dma_start3A_119, %dma_start3A_122] : memref<4x128xi32, #tpu.memory_space<vmem>> -> memref<1x128xi32, #tpu.memory_space<vmem>>
    %dma_start3A_124 = tpu.memref_squeeze %dma_start3A_123 : memref<1x128xi32, #tpu.memory_space<vmem>> -> memref<128xi32, #tpu.memory_space<vmem>>
    %dma_start3A_125 = arith.constant 0 : i32
    %dma_start3A_126 = tpu.memref_slice %arg7[%dma_start3A_125] : memref<16384xf32, #tpu.memory_space<hbm>> -> memref<16384xf32, #tpu.memory_space<hbm>>
    tpu.enqueue_indirect_dma source(%dma_start3A_126 : memref<16384xf32, #tpu.memory_space<hbm>>) target(%dma_start3A_121 : memref<128xf32, #tpu.memory_space<vmem>>) offsets(%dma_start3A_124 : memref<128xi32, #tpu.memory_space<vmem>>) semaphore(%arg14 : memref<!tpu.dma_semaphore, #tpu.memory_space<semaphore_mem>>)
    %dma_start3A_127 = arith.constant 1 : i32
    %dma_start3A_128 = arith.constant 128 : i32
    %dma_start3A_129 = tpu.memref_slice %arg13[%dma_start3A_128] : memref<512xf32, #tpu.memory_space<vmem>> -> memref<128xf32, #tpu.memory_space<vmem>>
    %dma_start3A_130 = arith.constant 0 : i32
    %dma_start3A_131 = tpu.memref_slice %arg11[%dma_start3A_127, %dma_start3A_130] : memref<4x128xi32, #tpu.memory_space<vmem>> -> memref<1x128xi32, #tpu.memory_space<vmem>>
    %dma_start3A_132 = tpu.memref_squeeze %dma_start3A_131 : memref<1x128xi32, #tpu.memory_space<vmem>> -> memref<128xi32, #tpu.memory_space<vmem>>
    %dma_start3A_133 = arith.constant 0 : i32
    %dma_start3A_134 = tpu.memref_slice %arg7[%dma_start3A_133] : memref<16384xf32, #tpu.memory_space<hbm>> -> memref<16384xf32, #tpu.memory_space<hbm>>
    tpu.enqueue_indirect_dma source(%dma_start3A_134 : memref<16384xf32, #tpu.memory_space<hbm>>) target(%dma_start3A_129 : memref<128xf32, #tpu.memory_space<vmem>>) offsets(%dma_start3A_132 : memref<128xi32, #tpu.memory_space<vmem>>) semaphore(%arg15 : memref<!tpu.dma_semaphore, #tpu.memory_space<semaphore_mem>>)
    %dma_start3A_135 = arith.constant 2 : i32
    %dma_start3A_136 = arith.constant 256 : i32
    %dma_start3A_137 = tpu.memref_slice %arg13[%dma_start3A_136] : memref<512xf32, #tpu.memory_space<vmem>> -> memref<128xf32, #tpu.memory_space<vmem>>
    %dma_start3A_138 = arith.constant 0 : i32
    %dma_start3A_139 = tpu.memref_slice %arg11[%dma_start3A_135, %dma_start3A_138] : memref<4x128xi32, #tpu.memory_space<vmem>> -> memref<1x128xi32, #tpu.memory_space<vmem>>
    %dma_start3A_140 = tpu.memref_squeeze %dma_start3A_139 : memref<1x128xi32, #tpu.memory_space<vmem>> -> memref<128xi32, #tpu.memory_space<vmem>>
    %dma_start3A_141 = arith.constant 0 : i32
    %dma_start3A_142 = tpu.memref_slice %arg7[%dma_start3A_141] : memref<16384xf32, #tpu.memory_space<hbm>> -> memref<16384xf32, #tpu.memory_space<hbm>>
    tpu.enqueue_indirect_dma source(%dma_start3A_142 : memref<16384xf32, #tpu.memory_space<hbm>>) target(%dma_start3A_137 : memref<128xf32, #tpu.memory_space<vmem>>) offsets(%dma_start3A_140 : memref<128xi32, #tpu.memory_space<vmem>>) semaphore(%arg16 : memref<!tpu.dma_semaphore, #tpu.memory_space<semaphore_mem>>)
    %dma_start3A_143 = arith.constant 3 : i32
    %dma_start3A_144 = arith.constant 384 : i32
    %dma_start3A_145 = tpu.memref_slice %arg13[%dma_start3A_144] : memref<512xf32, #tpu.memory_space<vmem>> -> memref<128xf32, #tpu.memory_space<vmem>>
    %dma_start3A_146 = arith.constant 0 : i32
    %dma_start3A_147 = tpu.memref_slice %arg11[%dma_start3A_143, %dma_start3A_146] : memref<4x128xi32, #tpu.memory_space<vmem>> -> memref<1x128xi32, #tpu.memory_space<vmem>>
    %dma_start3A_148 = tpu.memref_squeeze %dma_start3A_147 : memref<1x128xi32, #tpu.memory_space<vmem>> -> memref<128xi32, #tpu.memory_space<vmem>>
    %dma_start3A_149 = arith.constant 0 : i32
    %dma_start3A_150 = tpu.memref_slice %arg7[%dma_start3A_149] : memref<16384xf32, #tpu.memory_space<hbm>> -> memref<16384xf32, #tpu.memory_space<hbm>>
    tpu.enqueue_indirect_dma source(%dma_start3A_150 : memref<16384xf32, #tpu.memory_space<hbm>>) target(%dma_start3A_145 : memref<128xf32, #tpu.memory_space<vmem>>) offsets(%dma_start3A_148 : memref<128xi32, #tpu.memory_space<vmem>>) semaphore(%arg17 : memref<!tpu.dma_semaphore, #tpu.memory_space<semaphore_mem>>)
    %dma_wait3A_151 = arith.constant 0 : i32
    %dma_wait3A_152 = arith.constant 0 : i32
    %dma_wait3A_153 = arith.constant 0 : i32
    %dma_wait3A_154 = tpu.memref_slice %arg12[%dma_wait3A_152, %dma_wait3A_153] : memref<512x128xf32, #tpu.memory_space<vmem>> -> memref<128x128xf32, #tpu.memory_space<vmem>>
    %dma_wait3A_155 = arith.constant 0 : i32
    %dma_wait3A_156 = tpu.memref_slice %arg11[%dma_wait3A_151, %dma_wait3A_155] : memref<4x128xi32, #tpu.memory_space<vmem>> -> memref<1x128xi32, #tpu.memory_space<vmem>>
    %dma_wait3A_157 = tpu.memref_squeeze %dma_wait3A_156 : memref<1x128xi32, #tpu.memory_space<vmem>> -> memref<128xi32, #tpu.memory_space<vmem>>
    %dma_wait3A_158 = arith.constant 0 : i32
    %dma_wait3A_159 = arith.constant 0 : i32
    %dma_wait3A_160 = tpu.memref_slice %arg6[%dma_wait3A_158, %dma_wait3A_159] : memref<16384x128xf32, #tpu.memory_space<hbm>> -> memref<16384x128xf32, #tpu.memory_space<hbm>>
    tpu.wait_indirect_dma semaphore(%arg18 : memref<!tpu.dma_semaphore, #tpu.memory_space<semaphore_mem>>) src(%dma_wait3A_160 : memref<16384x128xf32, #tpu.memory_space<hbm>>) dst(%dma_wait3A_154 : memref<128x128xf32, #tpu.memory_space<vmem>>)
    %dma_start3A_161 = arith.constant 0 : i32
    %dma_start3A_162 = arith.constant 0 : i32
    %dma_start3A_163 = arith.constant 0 : i32
    %dma_start3A_164 = tpu.memref_slice %arg12[%dma_start3A_162, %dma_start3A_163] : memref<512x128xf32, #tpu.memory_space<vmem>> -> memref<128x128xf32, #tpu.memory_space<vmem>>
    %dma_start3A_165 = arith.constant 0 : i32
    %dma_start3A_166 = tpu.memref_slice %arg10[%dma_start3A_161, %dma_start3A_165] : memref<4x128xi32, #tpu.memory_space<vmem>> -> memref<1x128xi32, #tpu.memory_space<vmem>>
    %dma_start3A_167 = tpu.memref_squeeze %dma_start3A_166 : memref<1x128xi32, #tpu.memory_space<vmem>> -> memref<128xi32, #tpu.memory_space<vmem>>
    %dma_start3A_168 = arith.constant 0 : i32
    %dma_start3A_169 = arith.constant 0 : i32
    %dma_start3A_170 = tpu.memref_slice %arg2[%dma_start3A_168, %dma_start3A_169] : memref<100000x128xf32, #tpu.memory_space<hbm>> -> memref<100000x128xf32, #tpu.memory_space<hbm>>
    tpu.enqueue_indirect_dma source(%dma_start3A_164 : memref<128x128xf32, #tpu.memory_space<vmem>>) target(%dma_start3A_170 : memref<100000x128xf32, #tpu.memory_space<hbm>>) offsets(%dma_start3A_167 : memref<128xi32, #tpu.memory_space<vmem>>) semaphore(%arg18 : memref<!tpu.dma_semaphore, #tpu.memory_space<semaphore_mem>>)
    %dma_wait3A_171 = arith.constant 1 : i32
    %dma_wait3A_172 = arith.constant 128 : i32
    %dma_wait3A_173 = arith.constant 0 : i32
    %dma_wait3A_174 = tpu.memref_slice %arg12[%dma_wait3A_172, %dma_wait3A_173] : memref<512x128xf32, #tpu.memory_space<vmem>> -> memref<128x128xf32, #tpu.memory_space<vmem>>
    %dma_wait3A_175 = arith.constant 0 : i32
    %dma_wait3A_176 = tpu.memref_slice %arg11[%dma_wait3A_171, %dma_wait3A_175] : memref<4x128xi32, #tpu.memory_space<vmem>> -> memref<1x128xi32, #tpu.memory_space<vmem>>
    %dma_wait3A_177 = tpu.memref_squeeze %dma_wait3A_176 : memref<1x128xi32, #tpu.memory_space<vmem>> -> memref<128xi32, #tpu.memory_space<vmem>>
    %dma_wait3A_178 = arith.constant 0 : i32
    %dma_wait3A_179 = arith.constant 0 : i32
    %dma_wait3A_180 = tpu.memref_slice %arg6[%dma_wait3A_178, %dma_wait3A_179] : memref<16384x128xf32, #tpu.memory_space<hbm>> -> memref<16384x128xf32, #tpu.memory_space<hbm>>
    tpu.wait_indirect_dma semaphore(%arg19 : memref<!tpu.dma_semaphore, #tpu.memory_space<semaphore_mem>>) src(%dma_wait3A_180 : memref<16384x128xf32, #tpu.memory_space<hbm>>) dst(%dma_wait3A_174 : memref<128x128xf32, #tpu.memory_space<vmem>>)
    %dma_start3A_181 = arith.constant 1 : i32
    %dma_start3A_182 = arith.constant 128 : i32
    %dma_start3A_183 = arith.constant 0 : i32
    %dma_start3A_184 = tpu.memref_slice %arg12[%dma_start3A_182, %dma_start3A_183] : memref<512x128xf32, #tpu.memory_space<vmem>> -> memref<128x128xf32, #tpu.memory_space<vmem>>
    %dma_start3A_185 = arith.constant 0 : i32
    %dma_start3A_186 = tpu.memref_slice %arg10[%dma_start3A_181, %dma_start3A_185] : memref<4x128xi32, #tpu.memory_space<vmem>> -> memref<1x128xi32, #tpu.memory_space<vmem>>
    %dma_start3A_187 = tpu.memref_squeeze %dma_start3A_186 : memref<1x128xi32, #tpu.memory_space<vmem>> -> memref<128xi32, #tpu.memory_space<vmem>>
    %dma_start3A_188 = arith.constant 0 : i32
    %dma_start3A_189 = arith.constant 0 : i32
    %dma_start3A_190 = tpu.memref_slice %arg2[%dma_start3A_188, %dma_start3A_189] : memref<100000x128xf32, #tpu.memory_space<hbm>> -> memref<100000x128xf32, #tpu.memory_space<hbm>>
    tpu.enqueue_indirect_dma source(%dma_start3A_184 : memref<128x128xf32, #tpu.memory_space<vmem>>) target(%dma_start3A_190 : memref<100000x128xf32, #tpu.memory_space<hbm>>) offsets(%dma_start3A_187 : memref<128xi32, #tpu.memory_space<vmem>>) semaphore(%arg19 : memref<!tpu.dma_semaphore, #tpu.memory_space<semaphore_mem>>)
    %dma_wait3A_191 = arith.constant 2 : i32
    %dma_wait3A_192 = arith.constant 256 : i32
    %dma_wait3A_193 = arith.constant 0 : i32
    %dma_wait3A_194 = tpu.memref_slice %arg12[%dma_wait3A_192, %dma_wait3A_193] : memref<512x128xf32, #tpu.memory_space<vmem>> -> memref<128x128xf32, #tpu.memory_space<vmem>>
    %dma_wait3A_195 = arith.constant 0 : i32
    %dma_wait3A_196 = tpu.memref_slice %arg11[%dma_wait3A_191, %dma_wait3A_195] : memref<4x128xi32, #tpu.memory_space<vmem>> -> memref<1x128xi32, #tpu.memory_space<vmem>>
    %dma_wait3A_197 = tpu.memref_squeeze %dma_wait3A_196 : memref<1x128xi32, #tpu.memory_space<vmem>> -> memref<128xi32, #tpu.memory_space<vmem>>
    %dma_wait3A_198 = arith.constant 0 : i32
    %dma_wait3A_199 = arith.constant 0 : i32
    %dma_wait3A_200 = tpu.memref_slice %arg6[%dma_wait3A_198, %dma_wait3A_199] : memref<16384x128xf32, #tpu.memory_space<hbm>> -> memref<16384x128xf32, #tpu.memory_space<hbm>>
    tpu.wait_indirect_dma semaphore(%arg20 : memref<!tpu.dma_semaphore, #tpu.memory_space<semaphore_mem>>) src(%dma_wait3A_200 : memref<16384x128xf32, #tpu.memory_space<hbm>>) dst(%dma_wait3A_194 : memref<128x128xf32, #tpu.memory_space<vmem>>)
    %dma_start3A_201 = arith.constant 2 : i32
    %dma_start3A_202 = arith.constant 256 : i32
    %dma_start3A_203 = arith.constant 0 : i32
    %dma_start3A_204 = tpu.memref_slice %arg12[%dma_start3A_202, %dma_start3A_203] : memref<512x128xf32, #tpu.memory_space<vmem>> -> memref<128x128xf32, #tpu.memory_space<vmem>>
    %dma_start3A_205 = arith.constant 0 : i32
    %dma_start3A_206 = tpu.memref_slice %arg10[%dma_start3A_201, %dma_start3A_205] : memref<4x128xi32, #tpu.memory_space<vmem>> -> memref<1x128xi32, #tpu.memory_space<vmem>>
    %dma_start3A_207 = tpu.memref_squeeze %dma_start3A_206 : memref<1x128xi32, #tpu.memory_space<vmem>> -> memref<128xi32, #tpu.memory_space<vmem>>
    %dma_start3A_208 = arith.constant 0 : i32
    %dma_start3A_209 = arith.constant 0 : i32
    %dma_start3A_210 = tpu.memref_slice %arg2[%dma_start3A_208, %dma_start3A_209] : memref<100000x128xf32, #tpu.memory_space<hbm>> -> memref<100000x128xf32, #tpu.memory_space<hbm>>
    tpu.enqueue_indirect_dma source(%dma_start3A_204 : memref<128x128xf32, #tpu.memory_space<vmem>>) target(%dma_start3A_210 : memref<100000x128xf32, #tpu.memory_space<hbm>>) offsets(%dma_start3A_207 : memref<128xi32, #tpu.memory_space<vmem>>) semaphore(%arg20 : memref<!tpu.dma_semaphore, #tpu.memory_space<semaphore_mem>>)
    %dma_wait3A_211 = arith.constant 3 : i32
    %dma_wait3A_212 = arith.constant 384 : i32
    %dma_wait3A_213 = arith.constant 0 : i32
    %dma_wait3A_214 = tpu.memref_slice %arg12[%dma_wait3A_212, %dma_wait3A_213] : memref<512x128xf32, #tpu.memory_space<vmem>> -> memref<128x128xf32, #tpu.memory_space<vmem>>
    %dma_wait3A_215 = arith.constant 0 : i32
    %dma_wait3A_216 = tpu.memref_slice %arg11[%dma_wait3A_211, %dma_wait3A_215] : memref<4x128xi32, #tpu.memory_space<vmem>> -> memref<1x128xi32, #tpu.memory_space<vmem>>
    %dma_wait3A_217 = tpu.memref_squeeze %dma_wait3A_216 : memref<1x128xi32, #tpu.memory_space<vmem>> -> memref<128xi32, #tpu.memory_space<vmem>>
    %dma_wait3A_218 = arith.constant 0 : i32
    %dma_wait3A_219 = arith.constant 0 : i32
    %dma_wait3A_220 = tpu.memref_slice %arg6[%dma_wait3A_218, %dma_wait3A_219] : memref<16384x128xf32, #tpu.memory_space<hbm>> -> memref<16384x128xf32, #tpu.memory_space<hbm>>
    tpu.wait_indirect_dma semaphore(%arg21 : memref<!tpu.dma_semaphore, #tpu.memory_space<semaphore_mem>>) src(%dma_wait3A_220 : memref<16384x128xf32, #tpu.memory_space<hbm>>) dst(%dma_wait3A_214 : memref<128x128xf32, #tpu.memory_space<vmem>>)
    %dma_start3A_221 = arith.constant 3 : i32
    %dma_start3A_222 = arith.constant 384 : i32
    %dma_start3A_223 = arith.constant 0 : i32
    %dma_start3A_224 = tpu.memref_slice %arg12[%dma_start3A_222, %dma_start3A_223] : memref<512x128xf32, #tpu.memory_space<vmem>> -> memref<128x128xf32, #tpu.memory_space<vmem>>
    %dma_start3A_225 = arith.constant 0 : i32
    %dma_start3A_226 = tpu.memref_slice %arg10[%dma_start3A_221, %dma_start3A_225] : memref<4x128xi32, #tpu.memory_space<vmem>> -> memref<1x128xi32, #tpu.memory_space<vmem>>
    %dma_start3A_227 = tpu.memref_squeeze %dma_start3A_226 : memref<1x128xi32, #tpu.memory_space<vmem>> -> memref<128xi32, #tpu.memory_space<vmem>>
    %dma_start3A_228 = arith.constant 0 : i32
    %dma_start3A_229 = arith.constant 0 : i32
    %dma_start3A_230 = tpu.memref_slice %arg2[%dma_start3A_228, %dma_start3A_229] : memref<100000x128xf32, #tpu.memory_space<hbm>> -> memref<100000x128xf32, #tpu.memory_space<hbm>>
    tpu.enqueue_indirect_dma source(%dma_start3A_224 : memref<128x128xf32, #tpu.memory_space<vmem>>) target(%dma_start3A_230 : memref<100000x128xf32, #tpu.memory_space<hbm>>) offsets(%dma_start3A_227 : memref<128xi32, #tpu.memory_space<vmem>>) semaphore(%arg21 : memref<!tpu.dma_semaphore, #tpu.memory_space<semaphore_mem>>)
    %dma_wait3A_231 = arith.constant 0 : i32
    %dma_wait3A_232 = arith.constant 0 : i32
    %dma_wait3A_233 = tpu.memref_slice %arg13[%dma_wait3A_232] : memref<512xf32, #tpu.memory_space<vmem>> -> memref<128xf32, #tpu.memory_space<vmem>>
    %dma_wait3A_234 = arith.constant 0 : i32
    %dma_wait3A_235 = tpu.memref_slice %arg11[%dma_wait3A_231, %dma_wait3A_234] : memref<4x128xi32, #tpu.memory_space<vmem>> -> memref<1x128xi32, #tpu.memory_space<vmem>>
    %dma_wait3A_236 = tpu.memref_squeeze %dma_wait3A_235 : memref<1x128xi32, #tpu.memory_space<vmem>> -> memref<128xi32, #tpu.memory_space<vmem>>
    %dma_wait3A_237 = arith.constant 0 : i32
    %dma_wait3A_238 = tpu.memref_slice %arg7[%dma_wait3A_237] : memref<16384xf32, #tpu.memory_space<hbm>> -> memref<16384xf32, #tpu.memory_space<hbm>>
    tpu.wait_indirect_dma semaphore(%arg14 : memref<!tpu.dma_semaphore, #tpu.memory_space<semaphore_mem>>) src(%dma_wait3A_238 : memref<16384xf32, #tpu.memory_space<hbm>>) dst(%dma_wait3A_233 : memref<128xf32, #tpu.memory_space<vmem>>)
    %dma_wait3A_239 = arith.constant 1 : i32
    %dma_wait3A_240 = arith.constant 128 : i32
    %dma_wait3A_241 = tpu.memref_slice %arg13[%dma_wait3A_240] : memref<512xf32, #tpu.memory_space<vmem>> -> memref<128xf32, #tpu.memory_space<vmem>>
    %dma_wait3A_242 = arith.constant 0 : i32
    %dma_wait3A_243 = tpu.memref_slice %arg11[%dma_wait3A_239, %dma_wait3A_242] : memref<4x128xi32, #tpu.memory_space<vmem>> -> memref<1x128xi32, #tpu.memory_space<vmem>>
    %dma_wait3A_244 = tpu.memref_squeeze %dma_wait3A_243 : memref<1x128xi32, #tpu.memory_space<vmem>> -> memref<128xi32, #tpu.memory_space<vmem>>
    %dma_wait3A_245 = arith.constant 0 : i32
    %dma_wait3A_246 = tpu.memref_slice %arg7[%dma_wait3A_245] : memref<16384xf32, #tpu.memory_space<hbm>> -> memref<16384xf32, #tpu.memory_space<hbm>>
    tpu.wait_indirect_dma semaphore(%arg15 : memref<!tpu.dma_semaphore, #tpu.memory_space<semaphore_mem>>) src(%dma_wait3A_246 : memref<16384xf32, #tpu.memory_space<hbm>>) dst(%dma_wait3A_241 : memref<128xf32, #tpu.memory_space<vmem>>)
    %dma_wait3A_247 = arith.constant 2 : i32
    %dma_wait3A_248 = arith.constant 256 : i32
    %dma_wait3A_249 = tpu.memref_slice %arg13[%dma_wait3A_248] : memref<512xf32, #tpu.memory_space<vmem>> -> memref<128xf32, #tpu.memory_space<vmem>>
    %dma_wait3A_250 = arith.constant 0 : i32
    %dma_wait3A_251 = tpu.memref_slice %arg11[%dma_wait3A_247, %dma_wait3A_250] : memref<4x128xi32, #tpu.memory_space<vmem>> -> memref<1x128xi32, #tpu.memory_space<vmem>>
    %dma_wait3A_252 = tpu.memref_squeeze %dma_wait3A_251 : memref<1x128xi32, #tpu.memory_space<vmem>> -> memref<128xi32, #tpu.memory_space<vmem>>
    %dma_wait3A_253 = arith.constant 0 : i32
    %dma_wait3A_254 = tpu.memref_slice %arg7[%dma_wait3A_253] : memref<16384xf32, #tpu.memory_space<hbm>> -> memref<16384xf32, #tpu.memory_space<hbm>>
    tpu.wait_indirect_dma semaphore(%arg16 : memref<!tpu.dma_semaphore, #tpu.memory_space<semaphore_mem>>) src(%dma_wait3A_254 : memref<16384xf32, #tpu.memory_space<hbm>>) dst(%dma_wait3A_249 : memref<128xf32, #tpu.memory_space<vmem>>)
    %dma_wait3A_255 = arith.constant 3 : i32
    %dma_wait3A_256 = arith.constant 384 : i32
    %dma_wait3A_257 = tpu.memref_slice %arg13[%dma_wait3A_256] : memref<512xf32, #tpu.memory_space<vmem>> -> memref<128xf32, #tpu.memory_space<vmem>>
    %dma_wait3A_258 = arith.constant 0 : i32
    %dma_wait3A_259 = tpu.memref_slice %arg11[%dma_wait3A_255, %dma_wait3A_258] : memref<4x128xi32, #tpu.memory_space<vmem>> -> memref<1x128xi32, #tpu.memory_space<vmem>>
    %dma_wait3A_260 = tpu.memref_squeeze %dma_wait3A_259 : memref<1x128xi32, #tpu.memory_space<vmem>> -> memref<128xi32, #tpu.memory_space<vmem>>
    %dma_wait3A_261 = arith.constant 0 : i32
    %dma_wait3A_262 = tpu.memref_slice %arg7[%dma_wait3A_261] : memref<16384xf32, #tpu.memory_space<hbm>> -> memref<16384xf32, #tpu.memory_space<hbm>>
    tpu.wait_indirect_dma semaphore(%arg17 : memref<!tpu.dma_semaphore, #tpu.memory_space<semaphore_mem>>) src(%dma_wait3A_262 : memref<16384xf32, #tpu.memory_space<hbm>>) dst(%dma_wait3A_257 : memref<128xf32, #tpu.memory_space<vmem>>)
    %dma_start3A_263 = arith.constant 0 : i32
    %dma_start3A_264 = arith.constant 0 : i32
    %dma_start3A_265 = tpu.memref_slice %arg13[%dma_start3A_264] : memref<512xf32, #tpu.memory_space<vmem>> -> memref<128xf32, #tpu.memory_space<vmem>>
    %dma_start3A_266 = arith.constant 0 : i32
    %dma_start3A_267 = tpu.memref_slice %arg10[%dma_start3A_263, %dma_start3A_266] : memref<4x128xi32, #tpu.memory_space<vmem>> -> memref<1x128xi32, #tpu.memory_space<vmem>>
    %dma_start3A_268 = tpu.memref_squeeze %dma_start3A_267 : memref<1x128xi32, #tpu.memory_space<vmem>> -> memref<128xi32, #tpu.memory_space<vmem>>
    %dma_start3A_269 = arith.constant 0 : i32
    %dma_start3A_270 = tpu.memref_slice %arg3[%dma_start3A_269] : memref<100000xf32, #tpu.memory_space<hbm>> -> memref<100000xf32, #tpu.memory_space<hbm>>
    tpu.enqueue_indirect_dma source(%dma_start3A_265 : memref<128xf32, #tpu.memory_space<vmem>>) target(%dma_start3A_270 : memref<100000xf32, #tpu.memory_space<hbm>>) offsets(%dma_start3A_268 : memref<128xi32, #tpu.memory_space<vmem>>) semaphore(%arg23 : memref<!tpu.dma_semaphore, #tpu.memory_space<semaphore_mem>>)
    %dma_start3A_271 = arith.constant 1 : i32
    %dma_start3A_272 = arith.constant 128 : i32
    %dma_start3A_273 = tpu.memref_slice %arg13[%dma_start3A_272] : memref<512xf32, #tpu.memory_space<vmem>> -> memref<128xf32, #tpu.memory_space<vmem>>
    %dma_start3A_274 = arith.constant 0 : i32
    %dma_start3A_275 = tpu.memref_slice %arg10[%dma_start3A_271, %dma_start3A_274] : memref<4x128xi32, #tpu.memory_space<vmem>> -> memref<1x128xi32, #tpu.memory_space<vmem>>
    %dma_start3A_276 = tpu.memref_squeeze %dma_start3A_275 : memref<1x128xi32, #tpu.memory_space<vmem>> -> memref<128xi32, #tpu.memory_space<vmem>>
    %dma_start3A_277 = arith.constant 0 : i32
    %dma_start3A_278 = tpu.memref_slice %arg3[%dma_start3A_277] : memref<100000xf32, #tpu.memory_space<hbm>> -> memref<100000xf32, #tpu.memory_space<hbm>>
    tpu.enqueue_indirect_dma source(%dma_start3A_273 : memref<128xf32, #tpu.memory_space<vmem>>) target(%dma_start3A_278 : memref<100000xf32, #tpu.memory_space<hbm>>) offsets(%dma_start3A_276 : memref<128xi32, #tpu.memory_space<vmem>>) semaphore(%arg23 : memref<!tpu.dma_semaphore, #tpu.memory_space<semaphore_mem>>)
    %dma_start3A_279 = arith.constant 2 : i32
    %dma_start3A_280 = arith.constant 256 : i32
    %dma_start3A_281 = tpu.memref_slice %arg13[%dma_start3A_280] : memref<512xf32, #tpu.memory_space<vmem>> -> memref<128xf32, #tpu.memory_space<vmem>>
    %dma_start3A_282 = arith.constant 0 : i32
    %dma_start3A_283 = tpu.memref_slice %arg10[%dma_start3A_279, %dma_start3A_282] : memref<4x128xi32, #tpu.memory_space<vmem>> -> memref<1x128xi32, #tpu.memory_space<vmem>>
    %dma_start3A_284 = tpu.memref_squeeze %dma_start3A_283 : memref<1x128xi32, #tpu.memory_space<vmem>> -> memref<128xi32, #tpu.memory_space<vmem>>
    %dma_start3A_285 = arith.constant 0 : i32
    %dma_start3A_286 = tpu.memref_slice %arg3[%dma_start3A_285] : memref<100000xf32, #tpu.memory_space<hbm>> -> memref<100000xf32, #tpu.memory_space<hbm>>
    tpu.enqueue_indirect_dma source(%dma_start3A_281 : memref<128xf32, #tpu.memory_space<vmem>>) target(%dma_start3A_286 : memref<100000xf32, #tpu.memory_space<hbm>>) offsets(%dma_start3A_284 : memref<128xi32, #tpu.memory_space<vmem>>) semaphore(%arg23 : memref<!tpu.dma_semaphore, #tpu.memory_space<semaphore_mem>>)
    %dma_start3A_287 = arith.constant 3 : i32
    %dma_start3A_288 = arith.constant 384 : i32
    %dma_start3A_289 = tpu.memref_slice %arg13[%dma_start3A_288] : memref<512xf32, #tpu.memory_space<vmem>> -> memref<128xf32, #tpu.memory_space<vmem>>
    %dma_start3A_290 = arith.constant 0 : i32
    %dma_start3A_291 = tpu.memref_slice %arg10[%dma_start3A_287, %dma_start3A_290] : memref<4x128xi32, #tpu.memory_space<vmem>> -> memref<1x128xi32, #tpu.memory_space<vmem>>
    %dma_start3A_292 = tpu.memref_squeeze %dma_start3A_291 : memref<1x128xi32, #tpu.memory_space<vmem>> -> memref<128xi32, #tpu.memory_space<vmem>>
    %dma_start3A_293 = arith.constant 0 : i32
    %dma_start3A_294 = tpu.memref_slice %arg3[%dma_start3A_293] : memref<100000xf32, #tpu.memory_space<hbm>> -> memref<100000xf32, #tpu.memory_space<hbm>>
    tpu.enqueue_indirect_dma source(%dma_start3A_289 : memref<128xf32, #tpu.memory_space<vmem>>) target(%dma_start3A_294 : memref<100000xf32, #tpu.memory_space<hbm>>) offsets(%dma_start3A_292 : memref<128xi32, #tpu.memory_space<vmem>>) semaphore(%arg23 : memref<!tpu.dma_semaphore, #tpu.memory_space<semaphore_mem>>)
    %dma_wait3A_295 = arith.constant 0 : i32
    %dma_wait3A_296 = arith.constant 0 : i32
    %dma_wait3A_297 = arith.constant 0 : i32
    %dma_wait3A_298 = tpu.memref_slice %arg12[%dma_wait3A_296, %dma_wait3A_297] : memref<512x128xf32, #tpu.memory_space<vmem>> -> memref<128x128xf32, #tpu.memory_space<vmem>>
    %dma_wait3A_299 = arith.constant 0 : i32
    %dma_wait3A_300 = tpu.memref_slice %arg10[%dma_wait3A_295, %dma_wait3A_299] : memref<4x128xi32, #tpu.memory_space<vmem>> -> memref<1x128xi32, #tpu.memory_space<vmem>>
    %dma_wait3A_301 = tpu.memref_squeeze %dma_wait3A_300 : memref<1x128xi32, #tpu.memory_space<vmem>> -> memref<128xi32, #tpu.memory_space<vmem>>
    %dma_wait3A_302 = arith.constant 0 : i32
    %dma_wait3A_303 = arith.constant 0 : i32
    %dma_wait3A_304 = tpu.memref_slice %arg2[%dma_wait3A_302, %dma_wait3A_303] : memref<100000x128xf32, #tpu.memory_space<hbm>> -> memref<100000x128xf32, #tpu.memory_space<hbm>>
    tpu.wait_indirect_dma semaphore(%arg18 : memref<!tpu.dma_semaphore, #tpu.memory_space<semaphore_mem>>) src(%dma_wait3A_298 : memref<128x128xf32, #tpu.memory_space<vmem>>) dst(%dma_wait3A_304 : memref<100000x128xf32, #tpu.memory_space<hbm>>)
    %dma_wait3A_305 = arith.constant 0 : i32
    %dma_wait3A_306 = arith.constant 0 : i32
    %dma_wait3A_307 = tpu.memref_slice %arg13[%dma_wait3A_306] : memref<512xf32, #tpu.memory_space<vmem>> -> memref<128xf32, #tpu.memory_space<vmem>>
    %dma_wait3A_308 = arith.constant 0 : i32
    %dma_wait3A_309 = tpu.memref_slice %arg10[%dma_wait3A_305, %dma_wait3A_308] : memref<4x128xi32, #tpu.memory_space<vmem>> -> memref<1x128xi32, #tpu.memory_space<vmem>>
    %dma_wait3A_310 = tpu.memref_squeeze %dma_wait3A_309 : memref<1x128xi32, #tpu.memory_space<vmem>> -> memref<128xi32, #tpu.memory_space<vmem>>
    %dma_wait3A_311 = arith.constant 0 : i32
    %dma_wait3A_312 = tpu.memref_slice %arg3[%dma_wait3A_311] : memref<100000xf32, #tpu.memory_space<hbm>> -> memref<100000xf32, #tpu.memory_space<hbm>>
    tpu.wait_indirect_dma semaphore(%arg23 : memref<!tpu.dma_semaphore, #tpu.memory_space<semaphore_mem>>) src(%dma_wait3A_307 : memref<128xf32, #tpu.memory_space<vmem>>) dst(%dma_wait3A_312 : memref<100000xf32, #tpu.memory_space<hbm>>)
    %dma_wait3A_313 = arith.constant 1 : i32
    %dma_wait3A_314 = arith.constant 128 : i32
    %dma_wait3A_315 = arith.constant 0 : i32
    %dma_wait3A_316 = tpu.memref_slice %arg12[%dma_wait3A_314, %dma_wait3A_315] : memref<512x128xf32, #tpu.memory_space<vmem>> -> memref<128x128xf32, #tpu.memory_space<vmem>>
    %dma_wait3A_317 = arith.constant 0 : i32
    %dma_wait3A_318 = tpu.memref_slice %arg10[%dma_wait3A_313, %dma_wait3A_317] : memref<4x128xi32, #tpu.memory_space<vmem>> -> memref<1x128xi32, #tpu.memory_space<vmem>>
    %dma_wait3A_319 = tpu.memref_squeeze %dma_wait3A_318 : memref<1x128xi32, #tpu.memory_space<vmem>> -> memref<128xi32, #tpu.memory_space<vmem>>
    %dma_wait3A_320 = arith.constant 0 : i32
    %dma_wait3A_321 = arith.constant 0 : i32
    %dma_wait3A_322 = tpu.memref_slice %arg2[%dma_wait3A_320, %dma_wait3A_321] : memref<100000x128xf32, #tpu.memory_space<hbm>> -> memref<100000x128xf32, #tpu.memory_space<hbm>>
    tpu.wait_indirect_dma semaphore(%arg19 : memref<!tpu.dma_semaphore, #tpu.memory_space<semaphore_mem>>) src(%dma_wait3A_316 : memref<128x128xf32, #tpu.memory_space<vmem>>) dst(%dma_wait3A_322 : memref<100000x128xf32, #tpu.memory_space<hbm>>)
    %dma_wait3A_323 = arith.constant 1 : i32
    %dma_wait3A_324 = arith.constant 128 : i32
    %dma_wait3A_325 = tpu.memref_slice %arg13[%dma_wait3A_324] : memref<512xf32, #tpu.memory_space<vmem>> -> memref<128xf32, #tpu.memory_space<vmem>>
    %dma_wait3A_326 = arith.constant 0 : i32
    %dma_wait3A_327 = tpu.memref_slice %arg10[%dma_wait3A_323, %dma_wait3A_326] : memref<4x128xi32, #tpu.memory_space<vmem>> -> memref<1x128xi32, #tpu.memory_space<vmem>>
    %dma_wait3A_328 = tpu.memref_squeeze %dma_wait3A_327 : memref<1x128xi32, #tpu.memory_space<vmem>> -> memref<128xi32, #tpu.memory_space<vmem>>
    %dma_wait3A_329 = arith.constant 0 : i32
    %dma_wait3A_330 = tpu.memref_slice %arg3[%dma_wait3A_329] : memref<100000xf32, #tpu.memory_space<hbm>> -> memref<100000xf32, #tpu.memory_space<hbm>>
    tpu.wait_indirect_dma semaphore(%arg23 : memref<!tpu.dma_semaphore, #tpu.memory_space<semaphore_mem>>) src(%dma_wait3A_325 : memref<128xf32, #tpu.memory_space<vmem>>) dst(%dma_wait3A_330 : memref<100000xf32, #tpu.memory_space<hbm>>)
    %dma_wait3A_331 = arith.constant 2 : i32
    %dma_wait3A_332 = arith.constant 256 : i32
    %dma_wait3A_333 = arith.constant 0 : i32
    %dma_wait3A_334 = tpu.memref_slice %arg12[%dma_wait3A_332, %dma_wait3A_333] : memref<512x128xf32, #tpu.memory_space<vmem>> -> memref<128x128xf32, #tpu.memory_space<vmem>>
    %dma_wait3A_335 = arith.constant 0 : i32
    %dma_wait3A_336 = tpu.memref_slice %arg10[%dma_wait3A_331, %dma_wait3A_335] : memref<4x128xi32, #tpu.memory_space<vmem>> -> memref<1x128xi32, #tpu.memory_space<vmem>>
    %dma_wait3A_337 = tpu.memref_squeeze %dma_wait3A_336 : memref<1x128xi32, #tpu.memory_space<vmem>> -> memref<128xi32, #tpu.memory_space<vmem>>
    %dma_wait3A_338 = arith.constant 0 : i32
    %dma_wait3A_339 = arith.constant 0 : i32
    %dma_wait3A_340 = tpu.memref_slice %arg2[%dma_wait3A_338, %dma_wait3A_339] : memref<100000x128xf32, #tpu.memory_space<hbm>> -> memref<100000x128xf32, #tpu.memory_space<hbm>>
    tpu.wait_indirect_dma semaphore(%arg20 : memref<!tpu.dma_semaphore, #tpu.memory_space<semaphore_mem>>) src(%dma_wait3A_334 : memref<128x128xf32, #tpu.memory_space<vmem>>) dst(%dma_wait3A_340 : memref<100000x128xf32, #tpu.memory_space<hbm>>)
    %dma_wait3A_341 = arith.constant 2 : i32
    %dma_wait3A_342 = arith.constant 256 : i32
    %dma_wait3A_343 = tpu.memref_slice %arg13[%dma_wait3A_342] : memref<512xf32, #tpu.memory_space<vmem>> -> memref<128xf32, #tpu.memory_space<vmem>>
    %dma_wait3A_344 = arith.constant 0 : i32
    %dma_wait3A_345 = tpu.memref_slice %arg10[%dma_wait3A_341, %dma_wait3A_344] : memref<4x128xi32, #tpu.memory_space<vmem>> -> memref<1x128xi32, #tpu.memory_space<vmem>>
    %dma_wait3A_346 = tpu.memref_squeeze %dma_wait3A_345 : memref<1x128xi32, #tpu.memory_space<vmem>> -> memref<128xi32, #tpu.memory_space<vmem>>
    %dma_wait3A_347 = arith.constant 0 : i32
    %dma_wait3A_348 = tpu.memref_slice %arg3[%dma_wait3A_347] : memref<100000xf32, #tpu.memory_space<hbm>> -> memref<100000xf32, #tpu.memory_space<hbm>>
    tpu.wait_indirect_dma semaphore(%arg23 : memref<!tpu.dma_semaphore, #tpu.memory_space<semaphore_mem>>) src(%dma_wait3A_343 : memref<128xf32, #tpu.memory_space<vmem>>) dst(%dma_wait3A_348 : memref<100000xf32, #tpu.memory_space<hbm>>)
    %dma_wait3A_349 = arith.constant 3 : i32
    %dma_wait3A_350 = arith.constant 384 : i32
    %dma_wait3A_351 = arith.constant 0 : i32
    %dma_wait3A_352 = tpu.memref_slice %arg12[%dma_wait3A_350, %dma_wait3A_351] : memref<512x128xf32, #tpu.memory_space<vmem>> -> memref<128x128xf32, #tpu.memory_space<vmem>>
    %dma_wait3A_353 = arith.constant 0 : i32
    %dma_wait3A_354 = tpu.memref_slice %arg10[%dma_wait3A_349, %dma_wait3A_353] : memref<4x128xi32, #tpu.memory_space<vmem>> -> memref<1x128xi32, #tpu.memory_space<vmem>>
    %dma_wait3A_355 = tpu.memref_squeeze %dma_wait3A_354 : memref<1x128xi32, #tpu.memory_space<vmem>> -> memref<128xi32, #tpu.memory_space<vmem>>
    %dma_wait3A_356 = arith.constant 0 : i32
    %dma_wait3A_357 = arith.constant 0 : i32
    %dma_wait3A_358 = tpu.memref_slice %arg2[%dma_wait3A_356, %dma_wait3A_357] : memref<100000x128xf32, #tpu.memory_space<hbm>> -> memref<100000x128xf32, #tpu.memory_space<hbm>>
    tpu.wait_indirect_dma semaphore(%arg21 : memref<!tpu.dma_semaphore, #tpu.memory_space<semaphore_mem>>) src(%dma_wait3A_352 : memref<128x128xf32, #tpu.memory_space<vmem>>) dst(%dma_wait3A_358 : memref<100000x128xf32, #tpu.memory_space<hbm>>)
    %dma_wait3A_359 = arith.constant 3 : i32
    %dma_wait3A_360 = arith.constant 384 : i32
    %dma_wait3A_361 = tpu.memref_slice %arg13[%dma_wait3A_360] : memref<512xf32, #tpu.memory_space<vmem>> -> memref<128xf32, #tpu.memory_space<vmem>>
    %dma_wait3A_362 = arith.constant 0 : i32
    %dma_wait3A_363 = tpu.memref_slice %arg10[%dma_wait3A_359, %dma_wait3A_362] : memref<4x128xi32, #tpu.memory_space<vmem>> -> memref<1x128xi32, #tpu.memory_space<vmem>>
    %dma_wait3A_364 = tpu.memref_squeeze %dma_wait3A_363 : memref<1x128xi32, #tpu.memory_space<vmem>> -> memref<128xi32, #tpu.memory_space<vmem>>
    %dma_wait3A_365 = arith.constant 0 : i32
    %dma_wait3A_366 = tpu.memref_slice %arg3[%dma_wait3A_365] : memref<100000xf32, #tpu.memory_space<hbm>> -> memref<100000xf32, #tpu.memory_space<hbm>>
    tpu.wait_indirect_dma semaphore(%arg23 : memref<!tpu.dma_semaphore, #tpu.memory_space<semaphore_mem>>) src(%dma_wait3A_361 : memref<128xf32, #tpu.memory_space<vmem>>) dst(%dma_wait3A_366 : memref<100000xf32, #tpu.memory_space<hbm>>)
    return
  }
}

#map = affine_map<(d0, d1) -> (0, 0)>
#map1 = affine_map<(d0, d1) -> (0)>
module attributes {stable_mosaic.version = 14 : i64} {
  func.func @_sc_gather(%arg0: i32, %arg1: i32, %arg2: memref<100000x128xf32, #tpu.memory_space<hbm>>, %arg3: memref<16384xi32, #tpu.memory_space<hbm>>, %arg4: memref<16384x128xf32, #tpu.memory_space<hbm>>, %arg5: memref<512xi32, #tpu.memory_space<vmem>>, %arg6: memref<512x128xf32, #tpu.memory_space<vmem>>, %arg7: memref<!tpu.dma_semaphore, #tpu.memory_space<semaphore_mem>>) attributes {dimension_semantics = [#tpu.dimension_semantics<core_parallel>, #tpu.dimension_semantics<subcore_parallel>], iteration_bounds = array<i64: 2, 16>, scalar_prefetch = 0 : i64, scratch_operands = 3 : i64, tpu.core_type = #tpu.core_type<sc_vector_subcore>, window_params = [{transform_indices = #map}, {transform_indices = #map1}, {transform_indices = #map}]} {
    %mul3A = arith.constant 2 : i32
    %mul3A_0 = arith.muli %arg1, %mul3A : i32
    %add3A = arith.addi %mul3A_0, %arg0 : i32
    %mul3A_1 = arith.constant 512 : i32
    %mul3A_2 = arith.muli %add3A, %mul3A_1 : i32
    "tpu.region"() ({
      %run_scoped3A = tpu.sem_alloc : memref<!tpu.dma_semaphore, #tpu.memory_space<semaphore_mem>>
      %dma_start3A_7 = tpu.memref_slice %arg3[%mul3A_2] : memref<16384xi32, #tpu.memory_space<hbm>> -> memref<512xi32, #tpu.memory_space<hbm>>
      %dma_start3A_8 = tpu.memref_slice %arg3[%mul3A_2] : memref<16384xi32, #tpu.memory_space<hbm>> -> memref<512xi32, #tpu.memory_space<hbm>>
      tpu.enqueue_dma source(%dma_start3A_8 : memref<512xi32, #tpu.memory_space<hbm>>) target(%arg5 : memref<512xi32, #tpu.memory_space<vmem>>) target_semaphore(%run_scoped3A : memref<!tpu.dma_semaphore, #tpu.memory_space<semaphore_mem>>)
      %dma_wait3A_9 = tpu.memref_slice %arg3[%mul3A_2] : memref<16384xi32, #tpu.memory_space<hbm>> -> memref<512xi32, #tpu.memory_space<hbm>>
      %dma_wait3A_10 = tpu.memref_slice %arg3[%mul3A_2] : memref<16384xi32, #tpu.memory_space<hbm>> -> memref<512xi32, #tpu.memory_space<hbm>>
      tpu.wait_dma2 semaphore(%run_scoped3A : memref<!tpu.dma_semaphore, #tpu.memory_space<semaphore_mem>>) src(%dma_wait3A_10 : memref<512xi32, #tpu.memory_space<hbm>>) dst(%arg5 : memref<512xi32, #tpu.memory_space<vmem>>)
      tpu.yield
    }) : () -> ()
    %dma_start3A = arith.constant 0 : i32
    %dma_start3A_3 = arith.constant 0 : i32
    %dma_start3A_4 = tpu.memref_slice %arg2[%dma_start3A, %dma_start3A_3] : memref<100000x128xf32, #tpu.memory_space<hbm>> -> memref<100000x128xf32, #tpu.memory_space<hbm>>
    tpu.enqueue_indirect_dma source(%dma_start3A_4 : memref<100000x128xf32, #tpu.memory_space<hbm>>) target(%arg6 : memref<512x128xf32, #tpu.memory_space<vmem>>) offsets(%arg5 : memref<512xi32, #tpu.memory_space<vmem>>) semaphore(%arg7 : memref<!tpu.dma_semaphore, #tpu.memory_space<semaphore_mem>>)
    %dma_wait3A = arith.constant 0 : i32
    %dma_wait3A_5 = arith.constant 0 : i32
    %dma_wait3A_6 = tpu.memref_slice %arg2[%dma_wait3A, %dma_wait3A_5] : memref<100000x128xf32, #tpu.memory_space<hbm>> -> memref<100000x128xf32, #tpu.memory_space<hbm>>
    tpu.wait_indirect_dma semaphore(%arg7 : memref<!tpu.dma_semaphore, #tpu.memory_space<semaphore_mem>>) src(%dma_wait3A_6 : memref<100000x128xf32, #tpu.memory_space<hbm>>) dst(%arg6 : memref<512x128xf32, #tpu.memory_space<vmem>>)
    "tpu.region"() ({
      %run_scoped3A = tpu.sem_alloc : memref<!tpu.dma_semaphore, #tpu.memory_space<semaphore_mem>>
      %dma_start3A_7 = arith.constant 0 : i32
      %dma_start3A_8 = tpu.memref_slice %arg4[%mul3A_2, %dma_start3A_7] : memref<16384x128xf32, #tpu.memory_space<hbm>> -> memref<512x128xf32, #tpu.memory_space<hbm>>
      %dma_start3A_9 = arith.constant 0 : i32
      %dma_start3A_10 = tpu.memref_slice %arg4[%mul3A_2, %dma_start3A_9] : memref<16384x128xf32, #tpu.memory_space<hbm>> -> memref<512x128xf32, #tpu.memory_space<hbm>>
      tpu.enqueue_dma source(%arg6 : memref<512x128xf32, #tpu.memory_space<vmem>>) target(%dma_start3A_10 : memref<512x128xf32, #tpu.memory_space<hbm>>) target_semaphore(%run_scoped3A : memref<!tpu.dma_semaphore, #tpu.memory_space<semaphore_mem>>)
      %dma_wait3A_11 = arith.constant 0 : i32
      %dma_wait3A_12 = tpu.memref_slice %arg4[%mul3A_2, %dma_wait3A_11] : memref<16384x128xf32, #tpu.memory_space<hbm>> -> memref<512x128xf32, #tpu.memory_space<hbm>>
      %dma_wait3A_13 = arith.constant 0 : i32
      %dma_wait3A_14 = tpu.memref_slice %arg4[%mul3A_2, %dma_wait3A_13] : memref<16384x128xf32, #tpu.memory_space<hbm>> -> memref<512x128xf32, #tpu.memory_space<hbm>>
      tpu.wait_dma2 semaphore(%run_scoped3A : memref<!tpu.dma_semaphore, #tpu.memory_space<semaphore_mem>>) src(%arg6 : memref<512x128xf32, #tpu.memory_space<vmem>>) dst(%dma_wait3A_14 : memref<512x128xf32, #tpu.memory_space<hbm>>)
      tpu.yield
    }) : () -> ()
    return
  }
}

module attributes {stable_mosaic.version = 14 : i64} {
  func.func @_copy_body(%arg0: i32, %arg1: memref<10000x128xf32, #tpu.memory_space<vmem>>, %arg2: memref<10000x128xf32, #tpu.memory_space<vmem>>) attributes {dimension_semantics = [#tpu.dimension_semantics<parallel>], iteration_bounds = array<i64: 10>, scalar_prefetch = 0 : i64, scratch_operands = 0 : i64, tpu.core_type = #tpu.core_type<tc>, window_params = [{transform_indices = @transform_0, window_bounds = array<i64: 10000, 128>}, {transform_indices = @transform_1, window_bounds = array<i64: 10000, 128>}]} {
    %get3A = arith.constant 0 : index
    %get3A_0 = arith.constant 0 : index
    %get3A_1 = vector.load %arg1[%get3A, %get3A_0] : memref<10000x128xf32, #tpu.memory_space<vmem>>, vector<10000x128xf32>
    %swap3A = arith.constant 0 : index
    %swap3A_2 = arith.constant 0 : index
    %swap3A_3 = vector.load %arg2[%swap3A, %swap3A_2] : memref<10000x128xf32, #tpu.memory_space<vmem>>, vector<10000x128xf32>
    tpu.vector_store %arg2[%swap3A, %swap3A_2], %get3A_1 {strides = array<i32>} : memref<10000x128xf32, #tpu.memory_space<vmem>>, vector<10000x128xf32>,
    return
  }
  func.func @transform_0(%arg0: i32) -> (i32, i32) {
    %c0_i32 = arith.constant 0 : i32
    %c0_i32_0 = arith.constant 0 : i32
    return %arg0, %c0_i32 : i32, i32
  }
  func.func @transform_1(%arg0: i32) -> (i32, i32) {
    %c0_i32 = arith.constant 0 : i32
    %c0_i32_0 = arith.constant 0 : i32
    return %arg0, %c0_i32 : i32, i32
  }
}

module attributes {stable_mosaic.version = 14 : i64} {
  func.func @_gru_body(%arg0: i32, %arg1: memref<2048x256xf32, #tpu.memory_space<vmem>>, %arg2: memref<2048x128xf32, #tpu.memory_space<vmem>>, %arg3: memref<384x256xf32, #tpu.memory_space<vmem>>, %arg4: memref<384x128xf32, #tpu.memory_space<vmem>>, %arg5: memref<1x384xf32, #tpu.memory_space<vmem>>, %arg6: memref<1x384xf32, #tpu.memory_space<vmem>>, %arg7: memref<2048x128xf32, #tpu.memory_space<vmem>>) attributes {dimension_semantics = [#tpu.dimension_semantics<parallel>], iteration_bounds = array<i64: 8>, scalar_prefetch = 0 : i64, scratch_operands = 0 : i64, tpu.core_type = #tpu.core_type<tc>, window_params = [{transform_indices = @transform_0, window_bounds = array<i64: 2048, 256>}, {transform_indices = @transform_1, window_bounds = array<i64: 2048, 128>}, {pipeline_mode = #tpu.pipeline_mode<synchronous>, transform_indices = @transform_2, window_bounds = array<i64: 384, 256>}, {pipeline_mode = #tpu.pipeline_mode<synchronous>, transform_indices = @transform_3, window_bounds = array<i64: 384, 128>}, {pipeline_mode = #tpu.pipeline_mode<synchronous>, transform_indices = @transform_4, window_bounds = array<i64: 1, 384>}, {pipeline_mode = #tpu.pipeline_mode<synchronous>, transform_indices = @transform_5, window_bounds = array<i64: 1, 384>}, {transform_indices = @transform_6, window_bounds = array<i64: 2048, 128>}]} {
    %get3A = arith.constant 0 : index
    %get3A_0 = arith.constant 0 : index
    %get3A_1 = vector.load %arg1[%get3A, %get3A_0] : memref<2048x256xf32, #tpu.memory_space<vmem>>, vector<2048x256xf32>
    %get3A_2 = arith.constant 0 : index
    %get3A_3 = arith.constant 0 : index
    %get3A_4 = vector.load %arg2[%get3A_2, %get3A_3] : memref<2048x128xf32, #tpu.memory_space<vmem>>, vector<2048x128xf32>
    %get3A_5 = arith.constant 0 : index
    %get3A_6 = arith.constant 0 : index
    %get3A_7 = vector.load %arg3[%get3A_5, %get3A_6] : memref<384x256xf32, #tpu.memory_space<vmem>>, vector<384x256xf32>
    %dot_general3A = arith.constant dense<0.000000e+00> : vector<2048x384xf32>
    %dot_general3A_8 = tpu.matmul %get3A_1, %get3A_7, %dot_general3A {dimension_numbers = #tpu.dot_dimension_numbers<[1], [1], [0], [0], [0, 0, 1, 0], [], []>, transpose_lhs_hint = false} : vector<2048x256xf32>, vector<384x256xf32>, vector<2048x384xf32> -> vector<2048x384xf32>
    %get3A_9 = arith.constant 0 : index
    %get3A_10 = arith.constant 0 : index
    %get3A_11 = vector.load %arg5[%get3A_9, %get3A_10] : memref<1x384xf32, #tpu.memory_space<vmem>>, vector<1x384xf32>
    %add3A = vector.broadcast %get3A_11 : vector<1x384xf32> to vector<2048x384xf32>
    %add3A_12 = arith.addf %dot_general3A_8, %add3A : vector<2048x384xf32>
    %get3A_13 = arith.constant 0 : index
    %get3A_14 = arith.constant 0 : index
    %get3A_15 = vector.load %arg4[%get3A_13, %get3A_14] : memref<384x128xf32, #tpu.memory_space<vmem>>, vector<384x128xf32>
    %dot_general3A_16 = arith.constant dense<0.000000e+00> : vector<2048x384xf32>
    %dot_general3A_17 = tpu.matmul %get3A_4, %get3A_15, %dot_general3A_16 {dimension_numbers = #tpu.dot_dimension_numbers<[1], [1], [0], [0], [0, 0, 1, 0], [], []>, transpose_lhs_hint = false} : vector<2048x128xf32>, vector<384x128xf32>, vector<2048x384xf32> -> vector<2048x384xf32>
    %get3A_18 = arith.constant 0 : index
    %get3A_19 = arith.constant 0 : index
    %get3A_20 = vector.load %arg6[%get3A_18, %get3A_19] : memref<1x384xf32, #tpu.memory_space<vmem>>, vector<1x384xf32>
    %add3A_21 = vector.broadcast %get3A_20 : vector<1x384xf32> to vector<2048x384xf32>
    %add3A_22 = arith.addf %dot_general3A_17, %add3A_21 : vector<2048x384xf32>
    %slice3A = vector.extract_strided_slice %add3A_12 {offsets = [0, 0], sizes = [2048, 128], strides = [1, 1]} : vector<2048x384xf32> to vector<2048x128xf32>
    %slice3A_23 = vector.extract_strided_slice %add3A_22 {offsets = [0, 0], sizes = [2048, 128], strides = [1, 1]} : vector<2048x384xf32> to vector<2048x128xf32>
    %add3A_24 = arith.addf %slice3A, %slice3A_23 : vector<2048x128xf32>
    %logistic3A = arith.negf %add3A_24 : vector<2048x128xf32>
    %logistic3A_25 = math.exp %logistic3A : vector<2048x128xf32>
    %logistic3A_26 = arith.constant 1.000000e+00 : f32
    %logistic3A_27 = vector.broadcast %logistic3A_26 : f32 to vector<2048x128xf32>
    %logistic3A_28 = arith.addf %logistic3A_27, %logistic3A_25 : vector<2048x128xf32>
    %logistic3A_29 = arith.divf %logistic3A_27, %logistic3A_28 : vector<2048x128xf32>
    %slice3A_30 = vector.extract_strided_slice %add3A_12 {offsets = [0, 128], sizes = [2048, 128], strides = [1, 1]} : vector<2048x384xf32> to vector<2048x128xf32>
    %slice3A_31 = vector.extract_strided_slice %add3A_22 {offsets = [0, 128], sizes = [2048, 128], strides = [1, 1]} : vector<2048x384xf32> to vector<2048x128xf32>
    %add3A_32 = arith.addf %slice3A_30, %slice3A_31 : vector<2048x128xf32>
    %logistic3A_33 = arith.negf %add3A_32 : vector<2048x128xf32>
    %logistic3A_34 = math.exp %logistic3A_33 : vector<2048x128xf32>
    %logistic3A_35 = arith.constant 1.000000e+00 : f32
    %logistic3A_36 = vector.broadcast %logistic3A_35 : f32 to vector<2048x128xf32>
    %logistic3A_37 = arith.addf %logistic3A_36, %logistic3A_34 : vector<2048x128xf32>
    %logistic3A_38 = arith.divf %logistic3A_36, %logistic3A_37 : vector<2048x128xf32>
    %slice3A_39 = vector.extract_strided_slice %add3A_12 {offsets = [0, 256], sizes = [2048, 128], strides = [1, 1]} : vector<2048x384xf32> to vector<2048x128xf32>
    %slice3A_40 = vector.extract_strided_slice %add3A_22 {offsets = [0, 256], sizes = [2048, 128], strides = [1, 1]} : vector<2048x384xf32> to vector<2048x128xf32>
    %mul3A = arith.mulf %logistic3A_29, %slice3A_40 : vector<2048x128xf32>
    %add3A_41 = arith.addf %slice3A_39, %mul3A : vector<2048x128xf32>
    %tanh3A = math.tanh %add3A_41 : vector<2048x128xf32>
    %sub3A = arith.constant 1.000000e+00 : f32
    %sub3A_42 = vector.broadcast %sub3A : f32 to vector<2048x128xf32>
    %sub3A_43 = arith.subf %sub3A_42, %logistic3A_38 : vector<2048x128xf32>
    %mul3A_44 = arith.mulf %sub3A_43, %tanh3A : vector<2048x128xf32>
    %mul3A_45 = arith.mulf %logistic3A_38, %get3A_4 : vector<2048x128xf32>
    %add3A_46 = arith.addf %mul3A_44, %mul3A_45 : vector<2048x128xf32>
    %swap3A = arith.constant 0 : index
    %swap3A_47 = arith.constant 0 : index
    %swap3A_48 = vector.load %arg7[%swap3A, %swap3A_47] : memref<2048x128xf32, #tpu.memory_space<vmem>>, vector<2048x128xf32>
    tpu.vector_store %arg7[%swap3A, %swap3A_47], %add3A_46 {strides = array<i32>} : memref<2048x128xf32, #tpu.memory_space<vmem>>, vector<2048x128xf32>,
    return
  }
  func.func @transform_0(%arg0: i32) -> (i32, i32) {
    %c0_i32 = arith.constant 0 : i32
    %c0_i32_0 = arith.constant 0 : i32
    return %arg0, %c0_i32 : i32, i32
  }
  func.func @transform_1(%arg0: i32) -> (i32, i32) {
    %c0_i32 = arith.constant 0 : i32
    %c0_i32_0 = arith.constant 0 : i32
    return %arg0, %c0_i32 : i32, i32
  }
  func.func @transform_2(%arg0: i32) -> (i32, i32) {
    %c0_i32 = arith.constant 0 : i32
    %c0_i32_0 = arith.constant 0 : i32
    %c0_i32_1 = arith.constant 0 : i32
    return %c0_i32, %c0_i32_0 : i32, i32
  }
  func.func @transform_3(%arg0: i32) -> (i32, i32) {
    %c0_i32 = arith.constant 0 : i32
    %c0_i32_0 = arith.constant 0 : i32
    %c0_i32_1 = arith.constant 0 : i32
    return %c0_i32, %c0_i32_0 : i32, i32
  }
  func.func @transform_4(%arg0: i32) -> (i32, i32) {
    %c0_i32 = arith.constant 0 : i32
    %c0_i32_0 = arith.constant 0 : i32
    %c0_i32_1 = arith.constant 0 : i32
    return %c0_i32, %c0_i32_0 : i32, i32
  }
  func.func @transform_5(%arg0: i32) -> (i32, i32) {
    %c0_i32 = arith.constant 0 : i32
    %c0_i32_0 = arith.constant 0 : i32
    %c0_i32_1 = arith.constant 0 : i32
    return %c0_i32, %c0_i32_0 : i32, i32
  }
  func.func @transform_6(%arg0: i32) -> (i32, i32) {
    %c0_i32 = arith.constant 0 : i32
    %c0_i32_0 = arith.constant 0 : i32
    return %arg0, %c0_i32 : i32, i32
  }
}

</mosaic_0001>

<sc_bundles>
// kernel: kernel.10.cloned.1.call-start
scs
__scs_entry_jumppad:
0x0: {  	(pc) =	sbr.rel $0x88, $3  }
0x1: {  	(tag) =	ssettag $0x0;
	lr =	simm.s32 $0x1  }
0x2: {  	[smem:$0x3F98] =	sst lr;
	_ =	strace $0xD0000000  }
0x3: {  	_ = 	snop  }
0x4: {  	_ = 	snop  }
0x5: {  	_ = 	snop  }
0x6: {  	_ = 	snop  }
0x7: {  	_ = 	snop  }
__scs_overlays_trampoline_lowered:
0x8: {  	[smem:$0x3FA7] =	sst s0  }
0x9: {  	[smem:$0x3FA8] =	sst s1  }
0xa: {  	[smem:$0x3FA9] =	sst s2  }
0xb: {  	[smem:$0x3FAA] =	sst s3  }
0xc: {  	[smem:$0x3FAB] =	sst s4  }
0xd: {  	[smem:$0x3FAC] =	sst s5  }
0xe: {  	[smem:$0x3FAD] =	sst s6  }
0xf: {  	[smem:$0x3FAE] =	sst s7  }
0x10: {  	[smem:$0x3FAF] =	sst s8  }
0x11: {  	[smem:$0x3FB0] =	sst s9;
	s0 =	simm.s32 @!p0 $0x0  }
0x12: {  	s1 =	sld [smem:$0x3F96];
	s0 =	simm.s32 @p0 $0x1  }
0x13: {  	[smem:$0x3FB1] =	sst s0;
	s0 =	simm.s32 @!p1 $0x0  }
0x14: {  	s2 =	sld [smem:$0x3F95];
	s0 =	simm.s32 @p1 $0x1  }
0x15: {  	[smem:$0x3FB2] =	sst s0;
	s0 =	simm.s32 @!p2 $0x0  }
0x16: {  	s3 =	sld [smem:$0x3FDB];
	s0 =	simm.s32 @p2 $0x1  }
0x17: {  	s4 =	simm.s32 $0x1BF5;
	[smem:$0x3FB4] =	sst s0  }
0x18: {  	s0 =	sld [smem:$0x3F97];
	_ =	swait.ge [sflag:s4], $0x0  }
0x19: {  	s7 =	sld [smem:$0x3F98]  }
0x1a: {  	s8 =	sadd.s32 $0xFFFFE003, lr  }
0x1b: {  	s9 =	sadd.s32 $0xFFFFFEF7, lr;
	s5 =	simm.s32 $0xFFFFFFFF;
	p2 =	slt.u32 s8, $0xFFFFF086  }
0x1c: {  	p1 =	slt.u32 s9, $0xF7A;
	s5 =	simm.s32 @!p2 $0x0  }
0x1d: {  	s5 =	simm.s32 @p1 $0x1;
	p0 =	seq.s32 s7, s2  }
0x1e: {  	s7 =	smul.u32 @!p0 $0xF7A, s2;
	p2 =	seq.s32 @!p0 s5, $0x0  }
0x1f: {  	s9 =	smul.u32 $0xF7A, s1;
	s8 =	simm.s32 @!p0 $0x1BF5;
	p2 =	por !p2, p0  }
0x20: {  	[sflag:s8] =	ssyncset.s32 @!p0 $0xFFFFF086;
	s6 =	sadd.s32 @!p0 s3, s7;
	s7 =	simm.s32 @!p0 $0x108  }
0x21: {  	s3 =	sadd.s32 s3, s9;
	s6 =	sadd.s32 @!p0 $0x88, s6;
	s7 =	simm.s32 @p2 $0x1082  }
0x22: {  	[simem:s7], [sflag:s8] =	dma.local @!p0 [hbm:s6], $0xF7A  }
0x23: {  	s9 =	sor.u32 $0xD0000000, s2;
	s6 =	simm.s32 $0x108;
	_ =	swait.ge @!p0 [sflag:s8], $0x0  }
0x24: {  	s3 =	sadd.s32 $0x88, s3;
	s6 =	simm.s32 @!p1 $0x1082;
	[sflag:s4] =	ssyncset.s32 $0xFFFFF086  }
0x25: {  	[simem:s6], [sflag:s4] =	dma.local [hbm:s3], $0xF7A  }
0x26: {  	[smem:$0x3F98] =	sst s1;
	(tag) =	ssettag s2;
	_ =	strace s9  }
0x27: {  	s1 =	sld [smem:$0x3FA8]  }
0x28: {  	s2 =	sld [smem:$0x3FA9]  }
0x29: {  	s4 =	sld [smem:$0x3FAB]  }
0x2a: {  	p0 =	seq.s32 s5, $0x0;
	s5 =	sld [smem:$0x3FAC]  }
0x2b: {  	s6 =	sld [smem:$0x3FAD]  }
0x2c: {  	s7 =	sld [smem:$0x3FAE]  }
0x2d: {  	s3 =	simm.s32 $0x108;
	s8 =	sld [smem:$0x3FAF]  }
0x2e: {  	s3 =	simm.s32 @!p0 $0x1082;
	s9 =	sld [smem:$0x3FB0]  }
0x2f: {  	lr =	sadd.s32 s0, s3;
	s0 =	sld [smem:$0x3FA7]  }
0x30: {  	s3 =	sld [smem:$0x3FAA]  }
0x31: {  	[smem:$0x3FB3] =	sst s10  }
0x32: {  	s10 =	sld [smem:$0x3FB1];
	_ =	sdelay $0x3  }
0x33: {  	p0 =	seq.s32 s10, $0x1;
	s10 =	sld [smem:$0x3FB3];
	_ =	sdelay $0x3  }
0x34: {  	[smem:$0x3FB3] =	sst s10  }
0x35: {  	s10 =	sld [smem:$0x3FB2];
	_ =	sdelay $0x3  }
0x36: {  	p1 =	seq.s32 s10, $0x1;
	s10 =	sld [smem:$0x3FB3];
	_ =	sdelay $0x3  }
0x37: {  	[smem:$0x3FB3] =	sst s10  }
0x38: {  	s10 =	sld [smem:$0x3FB4]  }
0x39: {  	_ = 	snop;
	(pc) =	sbr.ind lr, $3  }
0x3a: {  	_ = 	snop  }
0x3b: {  	_ = 	snop  }
0x3c: {  	p2 =	seq.s32 s10, $0x1;
	s10 =	sld [smem:$0x3FB3]  }
0x3d: {  	_ =	shalt  }
0x3e: {  	_ =	shalt  }
0x3f: {  	_ =	shalt  }
0x40: {  	_ =	shalt  }
0x41: {  	_ =	shalt  }
0x42: {  	_ =	shalt  }
0x43: {  	_ =	shalt  }
0x44: {  	_ =	shalt  }
0x45: {  	_ =	shalt  }
0x46: {  	_ =	shalt  }
0x47: {  	_ =	shalt  }
0x48: {  	_ =	shalt  }
0x49: {  	_ =	shalt  }
0x4a: {  	_ =	shalt  }
0x4b: {  	_ =	shalt  }
0x4c: {  	_ =	shalt  }
0x4d: {  	_ =	shalt  }
0x4e: {  	_ =	shalt  }
0x4f: {  	_ =	shalt  }
0x50: {  	_ =	shalt  }
0x51: {  	_ =	shalt  }
0x52: {  	_ =	shalt  }
0x53: {  	_ =	shalt  }
0x54: {  	_ =	shalt  }
0x55: {  	_ =	shalt  }
0x56: {  	_ =	shalt  }
0x57: {  	_ =	shalt  }
0x58: {  	_ =	shalt  }
0x59: {  	_ =	shalt  }
0x5a: {  	_ =	shalt  }
0x5b: {  	_ =	shalt  }
0x5c: {  	_ =	shalt  }
0x5d: {  	_ =	shalt  }
0x5e: {  	_ =	shalt  }
0x5f: {  	_ =	shalt  }
0x60: {  	_ =	shalt  }
0x61: {  	_ =	shalt  }
0x62: {  	_ =	shalt  }
0x63: {  	_ =	shalt  }
0x64: {  	_ =	shalt  }
0x65: {  	_ =	shalt  }
0x66: {  	_ =	shalt  }
0x67: {  	_ =	shalt  }
0x68: {  	_ =	shalt  }
0x69: {  	_ =	shalt  }
0x6a: {  	_ =	shalt  }
0x6b: {  	_ =	shalt  }
0x6c: {  	_ =	shalt  }
0x6d: {  	_ =	shalt  }
0x6e: {  	_ =	shalt  }
0x6f: {  	_ =	shalt  }
0x70: {  	_ =	shalt  }
0x71: {  	_ =	shalt  }
0x72: {  	_ =	shalt  }
0x73: {  	_ =	shalt  }
0x74: {  	_ =	shalt  }
0x75: {  	_ =	shalt  }
0x76: {  	_ =	shalt  }
0x77: {  	_ =	shalt  }
0x78: {  	_ =	shalt  }
0x79: {  	_ =	shalt  }
0x7a: {  	_ =	shalt  }
0x7b: {  	_ =	shalt  }
0x7c: {  	_ =	shalt  }
0x7d: {  	_ =	shalt  }
0x7e: {  	_ =	shalt  }
0x7f: {  	_ =	shalt  }
0x80: {  	_ =	shalt  }
0x81: {  	_ =	shalt  }
0x82: {  	_ =	shalt  }
0x83: {  	_ =	shalt  }
0x84: {  	_ =	shalt  }
0x85: {  	_ =	shalt  }
0x86: {  	_ =	shalt  }
0x87: {  	_ =	shalt  }
.Lfunc_end0:
.L_simem_size_0:
called_computation.1_lowered:
.L_overlay_start_0:
0x88: {  	s2 =	sld [smem:$0x3FD9]  }
0x89: {  	s3 =	sld [smem:$0x3FFE];
	_ =	sdelay $0x1  }
0x8a: {  	s1 =	srdreg.scid  }
0x8b: {  	s0 =	sand.u32 $0x1, s1  }
0x8c: {  	s17 =	sshll.u32 s0, $0xA;
	s2 =	sadd.s32 s3, s2  }
0x8d: {  	s2 =	sadd.s32 s2, s17  }
0x8e: {  	[smem:$0x3FBF] =	sst s2  }
0x8f: {  	_ = 	snop  }
0x90: {  	s18 =	sld [smem:$0x3FC7];
	(tm) =	ssettm $0x1  }
0x91: {  	s19 =	sld [smem:$0x3FFB];
	_ =	sdelay $0x3  }
0x92: {  	_ =	strace s19  }
0x93: {  	s2 =	sld [smem:$0x3FFC];
	_ =	sdelay $0x3  }
0x94: {  	_ =	strace s2  }
0x95: {  	s2 =	sld [smem:$0x3FFD];
	_ =	sdelay $0x3  }
0x96: {  	_ =	strace s2  }
0x97: {  	_ =	strace $0x8FFFFFFF  }
0x98: {  	s20 =	sld [smem:$0x3FDB];
	_ =	sdelay $0x1  }
0x99: {  	s4 =	simm.s32 $_scs_section_size  }
0x9a: {  	s5 =	simm.s32 $_size__tile_overlayer_lowered;
	s6 =	simm.s32 $_tile_overlayer_lowered  }
0x9b: {  	s7 =	simm.s32 $0x1BFF;
	s21 =	sshll.u32 s6, $0x1;
	s4 =	sadd.s32 s4, s20  }
0x9c: {  	s22 =	simm.s32 $0x0;
	s5 =	sshll.u32 s5, $0x1;
	s6 =	sadd.s32 s21, s4  }
0x9d: {  	[timem:s22], [sflag:s7] =	dma.local [hbm:s6], s5  }
0x9e: {  	_ =	swait.ge [sflag:s7], s5  }
0x9f: {  	s5 =	ssub.s32 $0x0, s5;
	[sflag:s7] =	ssyncset.done $0x0  }
0xa0: {  	[sflag:s7] =	ssyncadd.s32 s5;
	_ =	sdelay $0x1  }
0xa1: {  	s23 =	simm.s32 $0x1B8B  }
0xa2: {  	_ =	swait.ge [sflag:s23], $0x1  }
0xa3: {  	[sflag:s23] =	ssyncset.done $0x0  }
0xa4: {  	[sflag:s23] =	ssyncadd.s32 $0xFFFFFFFF  }
0xa5: {  	s5 =	sld [smem:$0x0]  }
0xa6: {  	s6 =	sand.u32 $0xFFFFFFFE, s1  }
0xa7: {  	p0 =	sne.s32 s1, s6  }
0xa8: {  	s6 =	sshll.u32 @p0 s6, $0xE  }
0xa9: {  	s6 =	sadd.s32 @p0 $0x11B8D, s6;
	s7 =	sshll.u32 @p0 s5, $0x11  }
0xaa: {  	s6 =	sor.u32 @p0 s7, s6  }
0xab: {  	[sflag:s6] =	ssyncadd.remote.s32 @p0 $0x1;
	_ =	sdelay $0x1  }
0xac: {  	s6 =	simm.s32 @p0 $0x1B8D  }
0xad: {  	_ =	swait.eq @p0 [sflag:s6], $0x1  }
0xae: {  	[sflag:s6] =	ssyncadd.s32 @p0 $0xFFFFFFFF  }
0xaf: {  	s7 =	sshll.u32 @!p0 s1, $0xE  }
0xb0: {  	s7 =	sor.u32 @!p0 $0x4000, s7;
	s6 =	simm.s32 @!p0 $0x1B8D  }
0xb1: {  	s5 =	sshll.u32 @!p0 s5, $0x11;
	s7 =	sadd.s32 @!p0 $0x11B8D, s7;
	_ =	swait.eq @!p0 [sflag:s6], $0x1  }
0xb2: {  	s5 =	sor.u32 @!p0 s5, s7;
	[sflag:s6] =	ssyncadd.s32 @!p0 $0xFFFFFFFF  }
0xb3: {  	s25 =	simm.s32 $0x1B8E;
	s24 =	sld [smem:$0x3FFE];
	[sflag:s5] =	ssyncadd.remote.s32 @!p0 $0x1  }
0xb4: {  	s26 =	simm.s32 $execute0_lowered;
	[smem:$0x3FD2] =	sst s25  }
0xb5: {  	s6 =	sshll.u32 s26, $0x1;
	_ =	strace $0x80000049;
	[dreg:$0x1] =	wrdreg $0xFFFFFFFF  }
0xb6: {  	s28 =	simm.s32 $_size_execute0_lowered;
	s4 =	sadd.s32 s4, s6;
	[dreg:$0x0] =	wrdreg $0x0  }
0xb7: {  	s6 =	sshll.u32 s28, $0x1;
	[dreg:$0x2] =	wrdreg s4  }
0xb8: {  	[dreg:$0x3] =	wrdreg s6  }
0xb9: {  	[dreg:$0x4] =	wrdreg $0xC0  }
0xba: {  	_ =	task [dreg:s22], $0x5FFFF  }
0xbb: {  	[dreg:$0x1] =	wrdreg $0xFFFFFFFF  }
0xbc: {  	[dreg:$0x0] =	wrdreg $0x60  }
0xbd: {  	[dreg:$0x2] =	wrdreg s18  }
0xbe: {  	[dreg:$0x3] =	wrdreg s24  }
0xbf: {  	[dreg:$0x4] =	wrdreg $0xA  }
0xc0: {  	_ =	task.clear_ibuf [dreg:s22], $0x5FFFF;
	_ =	strace $0x90000049  }
0xc1: {  	s29 =	simm.s32 $0xA;
	_ =	strace $0x8000004B  }
0xc2: {  	_ =	swait.ge [sflag:s29], $0x1  }
0xc3: {  	[sflag:s29] =	ssyncadd.s32 $0xFFFFFFFF  }
0xc4: {  	_ =	strace $0x9000004B  }
0xc5: {  	_ =	sfence  }
0xc6: {  	s30 =	sld [smem:$0x0];
	_ =	sdelay $0x2  }
0xc7: {  	s31 =	sshll.u32 s1, $0xD;
	s1 =	sshrl.u32 s1, $0x2  }
0xc8: {  	s4 =	sand.u32 $0x4000, s31;
	s1 =	sadd.s32 s1, s30  }
0xc9: {  	s0 =	sor.u32 s4, s0;
	s1 =	sshll.u32 s1, $0x11  }
0xca: {  	s0 =	sor.u32 s1, s0  }
0xcb: {  	s0 =	sadd.s32 $0x8F2B, s0  }
0xcc: {  	[sflag:s0] =	ssyncadd.remote.s32 $0x1  }
0xcd: {  	_ =	sfence.sel $0xFFFF  }
0xce: {  	[dreg:$0x0] =	wrdreg $0xFFFFFFFF;
	(pc) =	sbr.abs _section_cstart, $3  }
0xcf: {  	[dreg:$0x1] =	wrdreg $0xFFFFFFFF  }
0xd0: {  	_ =	task.clear_ibuf [dreg:s22], $0x2FFFF;
	_ =	strace $0x9FFFFFFF  }
0xd1: {  	(tm) =	ssettm $0x7FFFFFFF  }
tec
execute0_lowered:
.L_overlay_start_1:
0x0: {  	(tag) =	ssettag $0x1  }
0x1: {  	s0 =	srdreg.scid  }
0x2: {  	s4 =	sand.u32 $0x1, s0;
	s0 =	stileid.u32  }
0x3: {  	s5 =	sshll.u32 s0, $0x1;
	s6 =	ssub.s32 $0x0, s4  }
0x4: {  	p0 =	sne.s32 s5, s6  }
.Ltmp0:
0x5: {  	_ = 	snop;
	(pc) =	sbr.rel @p0 .LBB2_5-.Ltmp0, $4  }
0x6: {  	_ = 	snop  }
0x7: {  	s2 =	rddreg [dreg:$0x0]  }
0x8: {  	s3 =	rddreg [dreg:$0x1]  }
0x9: {  	s1 =	rddreg [dreg:$0x2];
	_ =	strace $0x8000004A  }
0xa: {  	s4 =	ssub.s32 $0x2, s4  }
0xb: {  	s3 =	sadd.s32 $0x41A00, s3;
	s5 =	sshrl.u32 s4, $0x1  }
0xc: {  	s6 =	simm.s32 $0x18700;
	s7 =	simm.s32 $0x1;
	s4 =	ssub.s32 s4, s5  }
0xd: {  	v0 =	vlaneseq.u32;
	s8 =	simm.s32 $0x0;
	s5 =	simm.s32 $0x0;
	s4 =	smax.u32 s4, $0x1  }
.LBB2_2:
0xe: {  	[tilespmem:s6], [sflag:$0x1] =	stream.linear.gather [hbm4b:s2+s5], $0x4000, $0x38;
	[tilespmem:$0x1C700] =	vst v63  }
0xf: {  	_ =	swait.ge [sflag:s7], $0x4000  }
0x10: {  	s9 =	simm.s32 $0xFFFFFFF8;
	[sflag:s7] =	ssyncset.done $0x0  }
0x11: {  	s10 =	simm.s32 $0x70;
	s11 =	simm.s32 $0x18740;
	[sflag:s7] =	ssyncadd.s32 $0xFFFFC000  }
.LBB2_3:
0x12: {  	v1 =	vld [tilespmem:s11+$0xFFFFFFC0];
	_ =	sdelay $0x5  }
0x13: {  	s12 =	sadd.s32 $0xFFFFFF90, s10  }
0x14: {  	v2 =	vor.u32 s12, v0  }
0x15: {  	[tilespmem:v1+s5+$0x0] =	vst.idx.msk $0xffff, v2  }
0x16: {  	v1 =	vld [tilespmem:s11+$0xFFFFFFD0];
	_ =	sdelay $0x5  }
0x17: {  	s25 =	sadd.s32 $0xFFFFFFA0, s10  }
0x18: {  	v2 =	vor.u32 s25, v0  }
0x19: {  	[tilespmem:v1+s5+$0x0] =	vst.idx.msk $0xffff, v2  }
0x1a: {  	v1 =	vld [tilespmem:s11+$0xFFFFFFE0];
	_ =	sdelay $0x5  }
0x1b: {  	s26 =	sadd.s32 $0xFFFFFFB0, s10  }
0x1c: {  	v2 =	vor.u32 s26, v0  }
0x1d: {  	[tilespmem:v1+s5+$0x0] =	vst.idx.msk $0xffff, v2  }
0x1e: {  	v1 =	vld [tilespmem:s11+$0xFFFFFFF0];
	_ =	sdelay $0x5  }
0x1f: {  	s28 =	sadd.s32 $0xFFFFFFC0, s10  }
0x20: {  	v2 =	vor.u32 s28, v0  }
0x21: {  	[tilespmem:v1+s5+$0x0] =	vst.idx.msk $0xffff, v2  }
0x22: {  	v1 =	vld [tilespmem:s11+$0x0];
	_ =	sdelay $0x5  }
0x23: {  	s29 =	sadd.s32 $0xFFFFFFD0, s10  }
0x24: {  	v2 =	vor.u32 s29, v0  }
0x25: {  	[tilespmem:v1+s5+$0x0] =	vst.idx.msk $0xffff, v2  }
0x26: {  	v1 =	vld [tilespmem:s11+$0x10];
	_ =	sdelay $0x5  }
0x27: {  	s30 =	sadd.s32 $0xFFFFFFE0, s10  }
0x28: {  	v2 =	vor.u32 s30, v0  }
0x29: {  	[tilespmem:v1+s5+$0x0] =	vst.idx.msk $0xffff, v2  }
0x2a: {  	v1 =	vld [tilespmem:s11+$0x20];
	_ =	sdelay $0x5  }
0x2b: {  	s31 =	sadd.s32 $0xFFFFFFF0, s10  }
0x2c: {  	v2 =	vor.u32 s31, v0  }
0x2d: {  	[tilespmem:v1+s5+$0x0] =	vst.idx.msk $0xffff, v2  }
0x2e: {  	v1 =	vld [tilespmem:s11+$0x30];
	_ =	sdelay $0x1  }
0x2f: {  	s9 =	sadd.s32 $0x8, s9  }
0x30: {  	p0 =	slt.u32 s9, $0x3F8  }
.Ltmp1:
0x31: {  	_ = 	snop;
	(pc) =	sbr.rel @p0 .LBB2_3-.Ltmp1, $3  }
0x32: {  	_ =	sdelay $0x1  }
0x33: {  	v2 =	vor.u32 s10, v0  }
0x34: {  	s10 =	sadd.s32 $0x80, s10;
	s11 =	sadd.s32 $0x80, s11;
	[tilespmem:v1+s5+$0x0] =	vst.idx.msk $0xffff, v2  }
0x35: {  	s8 =	sadd.s32 $0x1, s8  }
0x36: {  	p0 =	sne.s32 s8, s4  }
.Ltmp2:
0x37: {  	_ = 	snop;
	(pc) =	sbr.rel @p0 .LBB2_2-.Ltmp2, $4  }
0x38: {  	[hbm4b:s3+s5] =	stream.linear.scatter [tilespmem:s5], [sflag:$0x1], $0x18700, $0x38;
	[tilespmem:$0x1C700] =	vst v63  }
0x39: {  	_ =	swait.ge [sflag:s7], $0x18700  }
0x3a: {  	[sflag:s7] =	ssyncset.done $0x0  }
0x3b: {  	[sflag:s7] =	ssyncadd.s32 $0xFFFE7900  }
.LBB2_5:
0x3c: {  	_ =	sfence.sel $0x180000  }
0x3d: {  	[bflag:$0x0] =	sbarrier.arrive $0xFFFF  }
0x3e: {  	p0 =	sne.s32 s0, $0x0;
	_ =	strace $0x9000004A  }
0x3f: {  	s0 =	sadd.s32 @!p0 $0x100000, s1;
	[bflag:$0x2] =	sbarrier.arrive $0xFFFF  }
0x40: {  	[sflag:s0] =	ssyncadd.tile.s32 @!p0 $0x1;
	_ =	shalt  }
.Lfunc_end2:
_tile_overlayer_lowered:
.L_overlay_start_2:
0x41: {  	(tag) =	ssettag $0x2  }
0x42: {  	s0 =	rddreg [dreg:$0x0];
	s2 =	stileid.u32  }
0x43: {  	s1 =	rddreg [dreg:$0x1];
	p0 =	sne.s32 s2, $0x0  }
0x44: {  	s3 =	rddreg [dreg:$0x2];
	[bflag:$0x3] =	sbarrier.arrive $0xFFFF;
	s2 =	simm.s32 @!p0 $0x1C01  }
0x45: {  	[timem:s3], [sflag:s2] =	dma.local @!p0 [hbm:s0], s1  }
0x46: {  	s0 =	simm.s32 @!p0 $0x1  }
0x47: {  	_ =	swait.ge @!p0 [sflag:s0], s1  }
0x48: {  	s1 =	ssub.s32 @!p0 $0x0, s1;
	[sflag:s0] =	ssyncset.done @!p0 $0x0  }
0x49: {  	[sflag:s0] =	ssyncadd.s32 @!p0 s1  }
0x4a: {  	[bflag:$0x3] =	sbarrier.arrive $0xFFFF  }
0x4b: {  	_ =	shalt  }

// kernel: kernel.13.cloned.1.call-start
scs
__scs_entry_jumppad:
0x0: {  	(pc) =	sbr.rel $0x88, $3  }
0x1: {  	(tag) =	ssettag $0x0;
	lr =	simm.s32 $0x1  }
0x2: {  	[smem:$0x3F98] =	sst lr;
	_ =	strace $0xD0000000  }
0x3: {  	_ = 	snop  }
0x4: {  	_ = 	snop  }
0x5: {  	_ = 	snop  }
0x6: {  	_ = 	snop  }
0x7: {  	_ = 	snop  }
__scs_overlays_trampoline_lowered:
0x8: {  	[smem:$0x3FA7] =	sst s0  }
0x9: {  	[smem:$0x3FA8] =	sst s1  }
0xa: {  	[smem:$0x3FA9] =	sst s2  }
0xb: {  	[smem:$0x3FAA] =	sst s3  }
0xc: {  	[smem:$0x3FAB] =	sst s4  }
0xd: {  	[smem:$0x3FAC] =	sst s5  }
0xe: {  	[smem:$0x3FAD] =	sst s6  }
0xf: {  	[smem:$0x3FAE] =	sst s7  }
0x10: {  	[smem:$0x3FAF] =	sst s8  }
0x11: {  	[smem:$0x3FB0] =	sst s9;
	s0 =	simm.s32 @!p0 $0x0  }
0x12: {  	s1 =	sld [smem:$0x3F96];
	s0 =	simm.s32 @p0 $0x1  }
0x13: {  	[smem:$0x3FB1] =	sst s0;
	s0 =	simm.s32 @!p1 $0x0  }
0x14: {  	s2 =	sld [smem:$0x3F95];
	s0 =	simm.s32 @p1 $0x1  }
0x15: {  	[smem:$0x3FB2] =	sst s0;
	s0 =	simm.s32 @!p2 $0x0  }
0x16: {  	s3 =	sld [smem:$0x3FDB];
	s0 =	simm.s32 @p2 $0x1  }
0x17: {  	s4 =	simm.s32 $0x1BF5;
	[smem:$0x3FB4] =	sst s0  }
0x18: {  	s0 =	sld [smem:$0x3F97];
	_ =	swait.ge [sflag:s4], $0x0  }
0x19: {  	s7 =	sld [smem:$0x3F98]  }
0x1a: {  	s8 =	sadd.s32 $0xFFFFE003, lr  }
0x1b: {  	s9 =	sadd.s32 $0xFFFFFEF7, lr;
	s5 =	simm.s32 $0xFFFFFFFF;
	p2 =	slt.u32 s8, $0xFFFFF086  }
0x1c: {  	p1 =	slt.u32 s9, $0xF7A;
	s5 =	simm.s32 @!p2 $0x0  }
0x1d: {  	s5 =	simm.s32 @p1 $0x1;
	p0 =	seq.s32 s7, s2  }
0x1e: {  	s7 =	smul.u32 @!p0 $0xF7A, s2;
	p2 =	seq.s32 @!p0 s5, $0x0  }
0x1f: {  	s9 =	smul.u32 $0xF7A, s1;
	s8 =	simm.s32 @!p0 $0x1BF5;
	p2 =	por !p2, p0  }
0x20: {  	[sflag:s8] =	ssyncset.s32 @!p0 $0xFFFFF086;
	s6 =	sadd.s32 @!p0 s3, s7;
	s7 =	simm.s32 @!p0 $0x108  }
0x21: {  	s3 =	sadd.s32 s3, s9;
	s6 =	sadd.s32 @!p0 $0x88, s6;
	s7 =	simm.s32 @p2 $0x1082  }
0x22: {  	[simem:s7], [sflag:s8] =	dma.local @!p0 [hbm:s6], $0xF7A  }
0x23: {  	s9 =	sor.u32 $0xD0000000, s2;
	s6 =	simm.s32 $0x108;
	_ =	swait.ge @!p0 [sflag:s8], $0x0  }
0x24: {  	s3 =	sadd.s32 $0x88, s3;
	s6 =	simm.s32 @!p1 $0x1082;
	[sflag:s4] =	ssyncset.s32 $0xFFFFF086  }
0x25: {  	[simem:s6], [sflag:s4] =	dma.local [hbm:s3], $0xF7A  }
0x26: {  	[smem:$0x3F98] =	sst s1;
	(tag) =	ssettag s2;
	_ =	strace s9  }
0x27: {  	s1 =	sld [smem:$0x3FA8]  }
0x28: {  	s2 =	sld [smem:$0x3FA9]  }
0x29: {  	s4 =	sld [smem:$0x3FAB]  }
0x2a: {  	p0 =	seq.s32 s5, $0x0;
	s5 =	sld [smem:$0x3FAC]  }
0x2b: {  	s6 =	sld [smem:$0x3FAD]  }
0x2c: {  	s7 =	sld [smem:$0x3FAE]  }
0x2d: {  	s3 =	simm.s32 $0x108;
	s8 =	sld [smem:$0x3FAF]  }
0x2e: {  	s3 =	simm.s32 @!p0 $0x1082;
	s9 =	sld [smem:$0x3FB0]  }
0x2f: {  	lr =	sadd.s32 s0, s3;
	s0 =	sld [smem:$0x3FA7]  }
0x30: {  	s3 =	sld [smem:$0x3FAA]  }
0x31: {  	[smem:$0x3FB3] =	sst s10  }
0x32: {  	s10 =	sld [smem:$0x3FB1];
	_ =	sdelay $0x3  }
0x33: {  	p0 =	seq.s32 s10, $0x1;
	s10 =	sld [smem:$0x3FB3];
	_ =	sdelay $0x3  }
0x34: {  	[smem:$0x3FB3] =	sst s10  }
0x35: {  	s10 =	sld [smem:$0x3FB2];
	_ =	sdelay $0x3  }
0x36: {  	p1 =	seq.s32 s10, $0x1;
	s10 =	sld [smem:$0x3FB3];
	_ =	sdelay $0x3  }
0x37: {  	[smem:$0x3FB3] =	sst s10  }
0x38: {  	s10 =	sld [smem:$0x3FB4]  }
0x39: {  	_ = 	snop;
	(pc) =	sbr.ind lr, $3  }
0x3a: {  	_ = 	snop  }
0x3b: {  	_ = 	snop  }
0x3c: {  	p2 =	seq.s32 s10, $0x1;
	s10 =	sld [smem:$0x3FB3]  }
0x3d: {  	_ =	shalt  }
0x3e: {  	_ =	shalt  }
0x3f: {  	_ =	shalt  }
0x40: {  	_ =	shalt  }
0x41: {  	_ =	shalt  }
0x42: {  	_ =	shalt  }
0x43: {  	_ =	shalt  }
0x44: {  	_ =	shalt  }
0x45: {  	_ =	shalt  }
0x46: {  	_ =	shalt  }
0x47: {  	_ =	shalt  }
0x48: {  	_ =	shalt  }
0x49: {  	_ =	shalt  }
0x4a: {  	_ =	shalt  }
0x4b: {  	_ =	shalt  }
0x4c: {  	_ =	shalt  }
0x4d: {  	_ =	shalt  }
0x4e: {  	_ =	shalt  }
0x4f: {  	_ =	shalt  }
0x50: {  	_ =	shalt  }
0x51: {  	_ =	shalt  }
0x52: {  	_ =	shalt  }
0x53: {  	_ =	shalt  }
0x54: {  	_ =	shalt  }
0x55: {  	_ =	shalt  }
0x56: {  	_ =	shalt  }
0x57: {  	_ =	shalt  }
0x58: {  	_ =	shalt  }
0x59: {  	_ =	shalt  }
0x5a: {  	_ =	shalt  }
0x5b: {  	_ =	shalt  }
0x5c: {  	_ =	shalt  }
0x5d: {  	_ =	shalt  }
0x5e: {  	_ =	shalt  }
0x5f: {  	_ =	shalt  }
0x60: {  	_ =	shalt  }
0x61: {  	_ =	shalt  }
0x62: {  	_ =	shalt  }
0x63: {  	_ =	shalt  }
0x64: {  	_ =	shalt  }
0x65: {  	_ =	shalt  }
0x66: {  	_ =	shalt  }
0x67: {  	_ =	shalt  }
0x68: {  	_ =	shalt  }
0x69: {  	_ =	shalt  }
0x6a: {  	_ =	shalt  }
0x6b: {  	_ =	shalt  }
0x6c: {  	_ =	shalt  }
0x6d: {  	_ =	shalt  }
0x6e: {  	_ =	shalt  }
0x6f: {  	_ =	shalt  }
0x70: {  	_ =	shalt  }
0x71: {  	_ =	shalt  }
0x72: {  	_ =	shalt  }
0x73: {  	_ =	shalt  }
0x74: {  	_ =	shalt  }
0x75: {  	_ =	shalt  }
0x76: {  	_ =	shalt  }
0x77: {  	_ =	shalt  }
0x78: {  	_ =	shalt  }
0x79: {  	_ =	shalt  }
0x7a: {  	_ =	shalt  }
0x7b: {  	_ =	shalt  }
0x7c: {  	_ =	shalt  }
0x7d: {  	_ =	shalt  }
0x7e: {  	_ =	shalt  }
0x7f: {  	_ =	shalt  }
0x80: {  	_ =	shalt  }
0x81: {  	_ =	shalt  }
0x82: {  	_ =	shalt  }
0x83: {  	_ =	shalt  }
0x84: {  	_ =	shalt  }
0x85: {  	_ =	shalt  }
0x86: {  	_ =	shalt  }
0x87: {  	_ =	shalt  }
.Lfunc_end0:
.L_simem_size_0:
called_computation.2_lowered:
.L_overlay_start_0:
0x88: {  	s2 =	sld [smem:$0x3FD9]  }
0x89: {  	s3 =	sld [smem:$0x3FFE];
	_ =	sdelay $0x1  }
0x8a: {  	s1 =	srdreg.scid  }
0x8b: {  	s0 =	sand.u32 $0x1, s1  }
0x8c: {  	s14 =	sshll.u32 s0, $0xA;
	s2 =	sadd.s32 s3, s2  }
0x8d: {  	s2 =	sadd.s32 s2, s14  }
0x8e: {  	[smem:$0x3FBF] =	sst s2  }
0x8f: {  	_ = 	snop  }
0x90: {  	s2 =	sld [smem:$0x3FD0];
	_ =	sdelay $0x1  }
0x91: {  	s15 =	sld [smem:$0x3FC7]  }
0x92: {  	s5 =	simm.s32 $0xB;
	s6 =	simm.s32 $0x10;
	s4 =	sld [smem:$0x3FC5]  }
0x93: {  	[smem:s6], [sflag:s5] =	dma.local [hbm:s2], $0x1  }
0x94: {  	_ =	swait.eq [sflag:s5], $0x1  }
0x95: {  	[sflag:s5] =	ssyncset.done $0x0  }
0x96: {  	s16 =	sld [smem:$0x10];
	[sflag:s5] =	ssyncadd.s32 $0xFFFFFFFF  }
0x97: {  	s17 =	sld [smem:$0x11];
	(tm) =	ssettm $0x1  }
0x98: {  	s18 =	sld [smem:$0x3FFB];
	_ =	sdelay $0x3  }
0x99: {  	_ =	strace s18  }
0x9a: {  	s6 =	sld [smem:$0x3FFC];
	_ =	sdelay $0x3  }
0x9b: {  	_ =	strace s6  }
0x9c: {  	s6 =	sld [smem:$0x3FFD];
	_ =	sdelay $0x3  }
0x9d: {  	_ =	strace s6  }
0x9e: {  	_ =	strace $0x8FFFFFFF  }
0x9f: {  	s19 =	sld [smem:$0x3FDB];
	_ =	sdelay $0x1  }
0xa0: {  	s7 =	simm.s32 $_scs_section_size  }
0xa1: {  	s8 =	simm.s32 $_size__tile_overlayer_lowered;
	s9 =	simm.s32 $_tile_overlayer_lowered  }
0xa2: {  	s22 =	simm.s32 $0x1BFF;
	s21 =	sshll.u32 s9, $0x1;
	s6 =	sadd.s32 s7, s19  }
0xa3: {  	s10 =	simm.s32 $0x0;
	s20 =	sshll.u32 s8, $0x1;
	s8 =	sadd.s32 s21, s6  }
0xa4: {  	[timem:s10], [sflag:s22] =	dma.local [hbm:s8], s20  }
0xa5: {  	_ =	swait.ge [sflag:s22], s20  }
0xa6: {  	s7 =	ssub.s32 $0x0, s20;
	[sflag:s22] =	ssyncset.done $0x0  }
0xa7: {  	[sflag:s22] =	ssyncadd.s32 s7;
	_ =	sdelay $0x1  }
0xa8: {  	s23 =	simm.s32 $0x1B8B  }
0xa9: {  	_ =	swait.ge [sflag:s23], $0x1  }
0xaa: {  	[sflag:s23] =	ssyncset.done $0x0  }
0xab: {  	s25 =	simm.s32 $0x1B8E;
	s24 =	sld [smem:$0x3FFE];
	[sflag:s23] =	ssyncadd.s32 $0xFFFFFFFF  }
0xac: {  	s26 =	simm.s32 $execute0_lowered;
	[smem:$0x3FD2] =	sst s25  }
0xad: {  	s8 =	sshll.u32 s26, $0x1;
	_ =	strace $0x8000004C;
	[dreg:$0x1] =	wrdreg $0xFFFFFFFF  }
0xae: {  	s28 =	simm.s32 $_size_execute0_lowered;
	s6 =	sadd.s32 s6, s8;
	[dreg:$0x0] =	wrdreg $0x0  }
0xaf: {  	s8 =	sshll.u32 s28, $0x1;
	[dreg:$0x2] =	wrdreg s6  }
0xb0: {  	[dreg:$0x3] =	wrdreg s8  }
0xb1: {  	[dreg:$0x4] =	wrdreg $0xC0  }
0xb2: {  	_ =	task [dreg:s10], $0x5FFFF  }
0xb3: {  	[dreg:$0x1] =	wrdreg $0xFFFFFFFF  }
0xb4: {  	[dreg:$0x0] =	wrdreg $0x60  }
0xb5: {  	[dreg:$0x2] =	wrdreg s16  }
0xb6: {  	[dreg:$0x3] =	wrdreg s17  }
0xb7: {  	[dreg:$0x4] =	wrdreg s15  }
0xb8: {  	[dreg:$0x5] =	wrdreg s24  }
0xb9: {  	[dreg:$0x6] =	wrdreg s4  }
0xba: {  	[dreg:$0x7] =	wrdreg $0x9  }
0xbb: {  	_ =	task.clear_ibuf [dreg:s10], $0x8FFFF;
	_ =	strace $0x9000004C  }
0xbc: {  	s29 =	simm.s32 $0x9;
	_ =	strace $0x8000004E  }
0xbd: {  	_ =	swait.ge [sflag:s29], $0x1  }
0xbe: {  	[sflag:s29] =	ssyncadd.s32 $0xFFFFFFFF  }
0xbf: {  	_ =	strace $0x9000004E  }
0xc0: {  	_ =	sfence  }
0xc1: {  	s30 =	sld [smem:$0x0];
	_ =	sdelay $0x2  }
0xc2: {  	s31 =	sshll.u32 s1, $0xD;
	s1 =	sshrl.u32 s1, $0x2  }
0xc3: {  	s3 =	sand.u32 $0x4000, s31;
	s1 =	sadd.s32 s1, s30  }
0xc4: {  	s0 =	sor.u32 s3, s0;
	s1 =	sshll.u32 s1, $0x11  }
0xc5: {  	s0 =	sor.u32 s1, s0  }
0xc6: {  	s0 =	sadd.s32 $0x8F2B, s0  }
0xc7: {  	[sflag:s0] =	ssyncadd.remote.s32 $0x1  }
0xc8: {  	_ =	sfence.sel $0xFFFF  }
0xc9: {  	[dreg:$0x0] =	wrdreg $0xFFFFFFFF;
	(pc) =	sbr.abs _section_cstart, $3  }
0xca: {  	[dreg:$0x1] =	wrdreg $0xFFFFFFFF  }
0xcb: {  	_ =	task.clear_ibuf [dreg:s10], $0x2FFFF;
	_ =	strace $0x9FFFFFFF  }
0xcc: {  	(tm) =	ssettm $0x7FFFFFFF  }
0xcd: {  	_ =	shalt  }
tec
execute0_lowered:
.L_overlay_start_1:
0x0: {  	(tag) =	ssettag $0x1  }
0x1: {  	s4 =	rddreg [dreg:$0x0]  }
0x2: {  	s2 =	rddreg [dreg:$0x1]  }
0x3: {  	s0 =	rddreg [dreg:$0x2]  }
0x4: {  	s1 =	rddreg [dreg:$0x3]  }
0x5: {  	s11 =	rddreg [dreg:$0x4]  }
0x6: {  	s3 =	simm.s32 $0x0;
	s5 =	srdreg.scid;
	s7 =	stileid.u32  }
0x7: {  	s28 =	simm.s32 $0x280;
	s24 =	simm.s32 $0x100;
	s30 =	simm.s32 $0x300  }
0x8: {  	s9 =	simm.s32 $0x180;
	s31 =	simm.s32 $0x380;
	s5 =	sand.u32 $0x1, s5  }
0x9: {  	s18 =	simm.s32 $0x1;
	s6 =	sshll.u32 s5, $0x6;
	s5 =	ssub.s32 $0x2, s5  }
0xa: {  	s16 =	simm.s32 $0x2;
	s14 =	simm.s32 $0x3;
	s8 =	sshrl.u32 s5, $0x1  }
0xb: {  	s13 =	simm.s32 $0x4;
	p0 =	por $0x0, $0x0;
	s26 =	ssub.s32 s5, s8  }
0xc: {  	s17 =	simm.s32 $0x5;
	s12 =	simm.s32 $0x6;
	s29 =	smax.u32 s26, $0x1  }
0xd: {  	s10 =	simm.s32 $0x7;
	[smem:$0x7FF] =	sst s3;
	p1 =	sne.s32 s29, $0x1  }
.Ltmp0:
0xe: {  	s7 =	sshll.u32 s7, $0x7;
	s23 =	sadd.s32 $0x1A00, s1;
	(pc) =	sbr.rel @!p1 .LBB2_4-.Ltmp0, $4  }
0xf: {  	_ =	strace $0x8000004D;
	s6 =	sadd.s32 s0, s6;
	s0 =	sadd.s32 $0x41A00, s1  }
0x10: {  	s1 =	simm.s32 $0xA;
	s6 =	sadd.s32 s7, s6;
	s5 =	simm.s32 $0x80  }
0x11: {  	s8 =	simm.s32 $0x8;
	[dreg:$0x6] =	wrdreg s6;
	s26 =	simm.s32 $0x200  }
0x12: {  	s6 =	simm.s32 $0x9;
	s7 =	sadd.s32 $0xFFFFFFFF, s29;
	s19 =	rddreg [dreg:$0x6]  }
0x13: {  	[tilespmem:s3], [sflag:$0xA] =	stream.linear.gather [hbm4b:s19+s3], $0x200, $0x38;
	[tilespmem:$0x10600] =	vst v63  }
0x14: {  	_ =	swait.ge [sflag:s1], $0x200  }
0x15: {  	[sflag:s1] =	ssyncset.done $0x0  }
0x16: {  	[sflag:s1] =	ssyncadd.s32 $0xFFFFFE00  }
0x17: {  	[tilespmem:s26], [sflag:$0x1] =	stream.indirect.gather [hbm4b:s0+s5], $0x1, s3, s5, $0xb8;
	[tilespmem:$0x10600] =	vst v63  }
0x18: {  	_ = 	snop  }
0x19: {  	[tilespmem:s28], [sflag:$0x2] =	stream.indirect.gather [hbm4b:s0+s5], $0x1, s5, s5, $0xb8;
	[tilespmem:$0x10600] =	vst v63  }
0x1a: {  	_ = 	snop  }
0x1b: {  	[tilespmem:s30], [sflag:$0x3] =	stream.indirect.gather [hbm4b:s0+s5], $0x1, s24, s5, $0xb8;
	[tilespmem:$0x10600] =	vst v63  }
0x1c: {  	_ = 	snop  }
0x1d: {  	[tilespmem:s31], [sflag:$0x4] =	stream.indirect.gather [hbm4b:s0+s5], $0x1, s9, s5, $0xb8;
	[tilespmem:$0x10600] =	vst v63  }
0x1e: {  	_ =	swait.ge [sflag:s18], $0x80  }
0x1f: {  	[sflag:s18] =	ssyncset.done $0x0  }
0x20: {  	s19 =	simm.s32 $0x400;
	[sflag:s18] =	ssyncadd.s32 $0xFFFFFF80  }
0x21: {  	[tilespmem:s19], [sflag:$0x5] =	stream.indirect.gather [hbm4b:s23+s5], $0x80, s26, s5, $0xb8;
	[tilespmem:$0x10600] =	vst v63  }
0x22: {  	_ =	swait.ge [sflag:s16], $0x80  }
0x23: {  	[sflag:s16] =	ssyncset.done $0x0  }
0x24: {  	s15 =	simm.s32 $0x4400;
	[sflag:s16] =	ssyncadd.s32 $0xFFFFFF80  }
0x25: {  	[tilespmem:s15], [sflag:$0x6] =	stream.indirect.gather [hbm4b:s23+s5], $0x80, s28, s5, $0xb8;
	[tilespmem:$0x10600] =	vst v63  }
0x26: {  	_ =	swait.ge [sflag:s14], $0x80  }
0x27: {  	[sflag:s14] =	ssyncset.done $0x0  }
0x28: {  	s29 =	simm.s32 $0x8400;
	[sflag:s14] =	ssyncadd.s32 $0xFFFFFF80  }
0x29: {  	[tilespmem:s29], [sflag:$0x7] =	stream.indirect.gather [hbm4b:s23+s5], $0x80, s30, s5, $0xb8;
	[tilespmem:$0x10600] =	vst v63  }
0x2a: {  	_ =	swait.ge [sflag:s13], $0x80  }
0x2b: {  	[sflag:s13] =	ssyncset.done $0x0  }
0x2c: {  	s25 =	simm.s32 $0xC400;
	[sflag:s13] =	ssyncadd.s32 $0xFFFFFF80  }
0x2d: {  	[tilespmem:s25], [sflag:$0x8] =	stream.indirect.gather [hbm4b:s23+s5], $0x80, s31, s5, $0xb8;
	[tilespmem:$0x10600] =	vst v63  }
0x2e: {  	s20 =	simm.s32 $0x10400  }
0x2f: {  	[tilespmem:s20], [sflag:$0x1] =	stream.indirect.gather [hbm4b:s11+s5], $0x1, s26, s5, $0xb8;
	[tilespmem:$0x10600] =	vst v63  }
0x30: {  	s21 =	simm.s32 $0x10480  }
0x31: {  	[tilespmem:s21], [sflag:$0x2] =	stream.indirect.gather [hbm4b:s11+s5], $0x1, s28, s5, $0xb8;
	[tilespmem:$0x10600] =	vst v63  }
0x32: {  	s22 =	simm.s32 $0x10500  }
0x33: {  	[tilespmem:s22], [sflag:$0x3] =	stream.indirect.gather [hbm4b:s11+s5], $0x1, s30, s5, $0xb8;
	[tilespmem:$0x10600] =	vst v63  }
0x34: {  	s20 =	simm.s32 $0x10580  }
0x35: {  	[tilespmem:s20], [sflag:$0x4] =	stream.indirect.gather [hbm4b:s11+s5], $0x1, s31, s5, $0xb8;
	[tilespmem:$0x10600] =	vst v63  }
0x36: {  	_ =	swait.ge [sflag:s17], $0x4000  }
0x37: {  	[sflag:s17] =	ssyncset.done $0x0  }
0x38: {  	[sflag:s17] =	ssyncadd.s32 $0xFFFFC000  }
0x39: {  	[hbm4b:s4+s5] =	stream.indirect.scatter [tilespmem:s19], [sflag:$0x5], $0x80, s3, s5, $0xb8;
	[tilespmem:$0x10600] =	vst v63  }
0x3a: {  	_ =	swait.ge [sflag:s12], $0x4000  }
0x3b: {  	[sflag:s12] =	ssyncset.done $0x0  }
0x3c: {  	[sflag:s12] =	ssyncadd.s32 $0xFFFFC000  }
0x3d: {  	[hbm4b:s4+s5] =	stream.indirect.scatter [tilespmem:s15], [sflag:$0x6], $0x80, s5, s5, $0xb8;
	[tilespmem:$0x10600] =	vst v63  }
0x3e: {  	_ =	swait.ge [sflag:s10], $0x4000  }
0x3f: {  	[sflag:s10] =	ssyncset.done $0x0  }
0x40: {  	[sflag:s10] =	ssyncadd.s32 $0xFFFFC000  }
0x41: {  	[hbm4b:s4+s5] =	stream.indirect.scatter [tilespmem:s29], [sflag:$0x7], $0x80, s24, s5, $0xb8;
	[tilespmem:$0x10600] =	vst v63  }
0x42: {  	_ =	swait.ge [sflag:s8], $0x4000  }
0x43: {  	[sflag:s8] =	ssyncset.done $0x0  }
0x44: {  	[sflag:s8] =	ssyncadd.s32 $0xFFFFC000  }
0x45: {  	[hbm4b:s4+s5] =	stream.indirect.scatter [tilespmem:s25], [sflag:$0x8], $0x80, s9, s5, $0xb8;
	[tilespmem:$0x10600] =	vst v63  }
0x46: {  	_ =	swait.ge [sflag:s18], $0x80  }
0x47: {  	[sflag:s18] =	ssyncset.done $0x0  }
0x48: {  	[sflag:s18] =	ssyncadd.s32 $0xFFFFFF80  }
0x49: {  	_ =	swait.ge [sflag:s16], $0x80  }
0x4a: {  	[sflag:s16] =	ssyncset.done $0x0  }
0x4b: {  	[sflag:s16] =	ssyncadd.s32 $0xFFFFFF80  }
0x4c: {  	_ =	swait.ge [sflag:s14], $0x80  }
0x4d: {  	[sflag:s14] =	ssyncset.done $0x0  }
0x4e: {  	[sflag:s14] =	ssyncadd.s32 $0xFFFFFF80  }
0x4f: {  	_ =	swait.ge [sflag:s13], $0x80  }
0x50: {  	[sflag:s13] =	ssyncset.done $0x0  }
0x51: {  	s29 =	simm.s32 $0x10400;
	[sflag:s13] =	ssyncadd.s32 $0xFFFFFF80  }
0x52: {  	[hbm4b:s2+s5] =	stream.indirect.scatter [tilespmem:s29], [sflag:$0x9], $0x1, s3, s5, $0xb8;
	[tilespmem:$0x10600] =	vst v63  }
0x53: {  	_ = 	snop  }
0x54: {  	[hbm4b:s2+s5] =	stream.indirect.scatter [tilespmem:s21], [sflag:$0x9], $0x1, s5, s5, $0xb8;
	[tilespmem:$0x10600] =	vst v63  }
0x55: {  	_ = 	snop  }
0x56: {  	[hbm4b:s2+s5] =	stream.indirect.scatter [tilespmem:s22], [sflag:$0x9], $0x1, s24, s5, $0xb8;
	[tilespmem:$0x10600] =	vst v63  }
0x57: {  	s20 =	simm.s32 $0x10580  }
0x58: {  	[hbm4b:s2+s5] =	stream.indirect.scatter [tilespmem:s20], [sflag:$0x9], $0x1, s9, s5, $0xb8;
	[tilespmem:$0x10600] =	vst v63  }
0x59: {  	_ =	swait.ge [sflag:s17], $0x4000  }
0x5a: {  	[sflag:s17] =	ssyncset.done $0x0  }
0x5b: {  	[sflag:s17] =	ssyncadd.s32 $0xFFFFC000  }
0x5c: {  	_ =	swait.ge [sflag:s6], $0x80  }
0x5d: {  	[sflag:s6] =	ssyncset.done $0x0  }
0x5e: {  	[sflag:s6] =	ssyncadd.s32 $0xFFFFFF80  }
0x5f: {  	_ =	swait.ge [sflag:s12], $0x4000  }
0x60: {  	[sflag:s12] =	ssyncset.done $0x0  }
0x61: {  	[sflag:s12] =	ssyncadd.s32 $0xFFFFC000  }
0x62: {  	_ =	swait.ge [sflag:s6], $0x80  }
0x63: {  	[sflag:s6] =	ssyncset.done $0x0  }
0x64: {  	[sflag:s6] =	ssyncadd.s32 $0xFFFFFF80  }
0x65: {  	_ =	swait.ge [sflag:s10], $0x4000  }
0x66: {  	[sflag:s10] =	ssyncset.done $0x0  }
0x67: {  	[sflag:s10] =	ssyncadd.s32 $0xFFFFC000  }
0x68: {  	_ =	swait.ge [sflag:s6], $0x80  }
0x69: {  	[sflag:s6] =	ssyncset.done $0x0  }
0x6a: {  	p1 =	sne.s32 s7, $0x1;
	[sflag:s6] =	ssyncadd.s32 $0xFFFFFF80  }
.Ltmp1:
0x6b: {  	_ =	swait.ge [sflag:s8], $0x4000;
	(pc) =	sbr.rel @!p1 .LBB2_4-.Ltmp1, $4  }
0x6c: {  	[sflag:s8] =	ssyncset.done $0x0  }
0x6d: {  	[sflag:s8] =	ssyncadd.s32 $0xFFFFC000  }
0x6e: {  	p0 =	por $0x1, $0x1;
	_ =	swait.ge [sflag:s6], $0x80  }
0x6f: {  	s15 =	sadd.s32 $0xFFFFFFFF, s7;
	s19 =	rddreg [dreg:$0x6];
	[sflag:s6] =	ssyncset.done $0x0  }
0x70: {  	s20 =	simm.s32 $0x4400;
	s25 =	simm.s32 $0x8400;
	s21 =	simm.s32 $0xC400  }
0x71: {  	s29 =	simm.s32 $0x10400;
	s22 =	simm.s32 $0x10480;
	s7 =	simm.s32 $0x10580  }
.LBB2_3:
0x72: {  	[sflag:s6] =	ssyncadd.s32 $0xFFFFFF80  }
0x73: {  	[tilespmem:s3], [sflag:$0xA] =	stream.linear.gather [hbm4b:s19+s3], $0x200, $0x38;
	[tilespmem:$0x10600] =	vst v63  }
0x74: {  	_ =	swait.ge [sflag:s1], $0x200  }
0x75: {  	[sflag:s1] =	ssyncset.done $0x0  }
0x76: {  	[sflag:s1] =	ssyncadd.s32 $0xFFFFFE00  }
0x77: {  	[tilespmem:s26], [sflag:$0x1] =	stream.indirect.gather [hbm4b:s0+s5], $0x1, s3, s5, $0xb8;
	[tilespmem:$0x10600] =	vst v63  }
0x78: {  	_ = 	snop  }
0x79: {  	[tilespmem:s28], [sflag:$0x2] =	stream.indirect.gather [hbm4b:s0+s5], $0x1, s5, s5, $0xb8;
	[tilespmem:$0x10600] =	vst v63  }
0x7a: {  	_ = 	snop  }
0x7b: {  	[tilespmem:s30], [sflag:$0x3] =	stream.indirect.gather [hbm4b:s0+s5], $0x1, s24, s5, $0xb8;
	[tilespmem:$0x10600] =	vst v63  }
0x7c: {  	_ = 	snop  }
0x7d: {  	[tilespmem:s31], [sflag:$0x4] =	stream.indirect.gather [hbm4b:s0+s5], $0x1, s9, s5, $0xb8;
	[tilespmem:$0x10600] =	vst v63  }
0x7e: {  	_ =	swait.ge [sflag:s18], $0x80  }
0x7f: {  	[sflag:s18] =	ssyncset.done $0x0  }
0x80: {  	s19 =	simm.s32 $0x400;
	[sflag:s18] =	ssyncadd.s32 $0xFFFFFF80  }
0x81: {  	[tilespmem:s19], [sflag:$0x5] =	stream.indirect.gather [hbm4b:s23+s5], $0x80, s26, s5, $0xb8;
	[tilespmem:$0x10600] =	vst v63  }
0x82: {  	_ =	swait.ge [sflag:s16], $0x80  }
0x83: {  	[sflag:s16] =	ssyncset.done $0x0  }
0x84: {  	[sflag:s16] =	ssyncadd.s32 $0xFFFFFF80  }
0x85: {  	[tilespmem:s20], [sflag:$0x6] =	stream.indirect.gather [hbm4b:s23+s5], $0x80, s28, s5, $0xb8;
	[tilespmem:$0x10600] =	vst v63  }
0x86: {  	_ =	swait.ge [sflag:s14], $0x80  }
0x87: {  	[sflag:s14] =	ssyncset.done $0x0  }
0x88: {  	[sflag:s14] =	ssyncadd.s32 $0xFFFFFF80  }
0x89: {  	[tilespmem:s25], [sflag:$0x7] =	stream.indirect.gather [hbm4b:s23+s5], $0x80, s30, s5, $0xb8;
	[tilespmem:$0x10600] =	vst v63  }
0x8a: {  	_ =	swait.ge [sflag:s13], $0x80  }
0x8b: {  	[sflag:s13] =	ssyncset.done $0x0  }
0x8c: {  	[sflag:s13] =	ssyncadd.s32 $0xFFFFFF80  }
0x8d: {  	[tilespmem:s21], [sflag:$0x8] =	stream.indirect.gather [hbm4b:s23+s5], $0x80, s31, s5, $0xb8;
	[tilespmem:$0x10600] =	vst v63  }
0x8e: {  	_ = 	snop  }
0x8f: {  	[tilespmem:s29], [sflag:$0x1] =	stream.indirect.gather [hbm4b:s11+s5], $0x1, s26, s5, $0xb8;
	[tilespmem:$0x10600] =	vst v63  }
0x90: {  	_ = 	snop  }
0x91: {  	[tilespmem:s22], [sflag:$0x2] =	stream.indirect.gather [hbm4b:s11+s5], $0x1, s28, s5, $0xb8;
	[tilespmem:$0x10600] =	vst v63  }
0x92: {  	s24 =	simm.s32 $0x10500  }
0x93: {  	[tilespmem:s24], [sflag:$0x3] =	stream.indirect.gather [hbm4b:s11+s5], $0x1, s30, s5, $0xb8;
	[tilespmem:$0x10600] =	vst v63  }
0x94: {  	_ = 	snop  }
0x95: {  	[tilespmem:s7], [sflag:$0x4] =	stream.indirect.gather [hbm4b:s11+s5], $0x1, s31, s5, $0xb8;
	[tilespmem:$0x10600] =	vst v63  }
0x96: {  	_ =	swait.ge [sflag:s17], $0x4000  }
0x97: {  	[sflag:s17] =	ssyncset.done $0x0  }
0x98: {  	[sflag:s17] =	ssyncadd.s32 $0xFFFFC000  }
0x99: {  	[hbm4b:s4+s5] =	stream.indirect.scatter [tilespmem:s19], [sflag:$0x5], $0x80, s3, s5, $0xb8;
	[tilespmem:$0x10600] =	vst v63  }
0x9a: {  	_ =	swait.ge [sflag:s12], $0x4000  }
0x9b: {  	[sflag:s12] =	ssyncset.done $0x0  }
0x9c: {  	[sflag:s12] =	ssyncadd.s32 $0xFFFFC000  }
0x9d: {  	[hbm4b:s4+s5] =	stream.indirect.scatter [tilespmem:s20], [sflag:$0x6], $0x80, s5, s5, $0xb8;
	[tilespmem:$0x10600] =	vst v63  }
0x9e: {  	_ =	swait.ge [sflag:s10], $0x4000  }
0x9f: {  	[sflag:s10] =	ssyncset.done $0x0  }
0xa0: {  	s9 =	simm.s32 $0x100;
	[sflag:s10] =	ssyncadd.s32 $0xFFFFC000  }
0xa1: {  	[hbm4b:s4+s5] =	stream.indirect.scatter [tilespmem:s25], [sflag:$0x7], $0x80, s9, s5, $0xb8;
	[tilespmem:$0x10600] =	vst v63  }
0xa2: {  	_ =	swait.ge [sflag:s8], $0x4000  }
0xa3: {  	[sflag:s8] =	ssyncset.done $0x0  }
0xa4: {  	s26 =	simm.s32 $0x180;
	[sflag:s8] =	ssyncadd.s32 $0xFFFFC000  }
0xa5: {  	[hbm4b:s4+s5] =	stream.indirect.scatter [tilespmem:s21], [sflag:$0x8], $0x80, s26, s5, $0xb8;
	[tilespmem:$0x10600] =	vst v63  }
0xa6: {  	_ =	swait.ge [sflag:s18], $0x80  }
0xa7: {  	[sflag:s18] =	ssyncset.done $0x0  }
0xa8: {  	[sflag:s18] =	ssyncadd.s32 $0xFFFFFF80  }
0xa9: {  	_ =	swait.ge [sflag:s16], $0x80  }
0xaa: {  	[sflag:s16] =	ssyncset.done $0x0  }
0xab: {  	[sflag:s16] =	ssyncadd.s32 $0xFFFFFF80  }
0xac: {  	_ =	swait.ge [sflag:s14], $0x80  }
0xad: {  	[sflag:s14] =	ssyncset.done $0x0  }
0xae: {  	[sflag:s14] =	ssyncadd.s32 $0xFFFFFF80  }
0xaf: {  	_ =	swait.ge [sflag:s13], $0x80  }
0xb0: {  	[sflag:s13] =	ssyncset.done $0x0  }
0xb1: {  	[sflag:s13] =	ssyncadd.s32 $0xFFFFFF80  }
0xb2: {  	[hbm4b:s2+s5] =	stream.indirect.scatter [tilespmem:s29], [sflag:$0x9], $0x1, s3, s5, $0xb8;
	[tilespmem:$0x10600] =	vst v63  }
0xb3: {  	_ = 	snop  }
0xb4: {  	[hbm4b:s2+s5] =	stream.indirect.scatter [tilespmem:s22], [sflag:$0x9], $0x1, s5, s5, $0xb8;
	[tilespmem:$0x10600] =	vst v63  }
0xb5: {  	_ = 	snop  }
0xb6: {  	[hbm4b:s2+s5] =	stream.indirect.scatter [tilespmem:s24], [sflag:$0x9], $0x1, s9, s5, $0xb8;
	[tilespmem:$0x10600] =	vst v63  }
0xb7: {  	s9 =	simm.s32 $0x180  }
0xb8: {  	[hbm4b:s2+s5] =	stream.indirect.scatter [tilespmem:s7], [sflag:$0x9], $0x1, s9, s5, $0xb8;
	[tilespmem:$0x10600] =	vst v63  }
0xb9: {  	_ =	swait.ge [sflag:s17], $0x4000  }
0xba: {  	[sflag:s17] =	ssyncset.done $0x0  }
0xbb: {  	[sflag:s17] =	ssyncadd.s32 $0xFFFFC000  }
0xbc: {  	_ =	swait.ge [sflag:s6], $0x80  }
0xbd: {  	[sflag:s6] =	ssyncset.done $0x0  }
0xbe: {  	[sflag:s6] =	ssyncadd.s32 $0xFFFFFF80  }
0xbf: {  	_ =	swait.ge [sflag:s12], $0x4000  }
0xc0: {  	[sflag:s12] =	ssyncset.done $0x0  }
0xc1: {  	[sflag:s12] =	ssyncadd.s32 $0xFFFFC000  }
0xc2: {  	_ =	swait.ge [sflag:s6], $0x80  }
0xc3: {  	[sflag:s6] =	ssyncset.done $0x0  }
0xc4: {  	[sflag:s6] =	ssyncadd.s32 $0xFFFFFF80  }
0xc5: {  	_ =	swait.ge [sflag:s10], $0x4000  }
0xc6: {  	[sflag:s10] =	ssyncset.done $0x0  }
0xc7: {  	[sflag:s10] =	ssyncadd.s32 $0xFFFFC000  }
0xc8: {  	_ =	swait.ge [sflag:s6], $0x80  }
0xc9: {  	[sflag:s6] =	ssyncset.done $0x0  }
0xca: {  	p1 =	sne.s32 s15, $0x1;
	[sflag:s6] =	ssyncadd.s32 $0xFFFFFF80  }
.Ltmp2:
0xcb: {  	_ =	swait.ge [sflag:s8], $0x4000;
	(pc) =	sbr.rel @p1 .LBB2_3-.Ltmp2, $4  }
0xcc: {  	[sflag:s8] =	ssyncset.done $0x0  }
0xcd: {  	[sflag:s8] =	ssyncadd.s32 $0xFFFFC000  }
0xce: {  	s15 =	sadd.s32 $0xFFFFFFFF, s15;
	s26 =	simm.s32 $0x200;
	_ =	swait.ge [sflag:s6], $0x80  }
0xcf: {  	s24 =	simm.s32 $0x100;
	s19 =	rddreg [dreg:$0x6];
	[sflag:s6] =	ssyncset.done $0x0  }
.LBB2_4:
0xd0: {  	[sflag:s6] =	ssyncadd.s32 @p0 $0xFFFFFF80  }
0xd1: {  	[tilespmem:s3], [sflag:$0xA] =	stream.linear.gather [hbm4b:s19+s3], $0x200, $0x38;
	[tilespmem:$0x10600] =	vst v63  }
0xd2: {  	_ =	swait.ge [sflag:s1], $0x200  }
0xd3: {  	[sflag:s1] =	ssyncset.done $0x0  }
0xd4: {  	[sflag:s1] =	ssyncadd.s32 $0xFFFFFE00  }
0xd5: {  	[tilespmem:s26], [sflag:$0x1] =	stream.indirect.gather [hbm4b:s0+s5], $0x1, s3, s5, $0xb8;
	[tilespmem:$0x10600] =	vst v63  }
0xd6: {  	_ = 	snop  }
0xd7: {  	[tilespmem:s28], [sflag:$0x2] =	stream.indirect.gather [hbm4b:s0+s5], $0x1, s5, s5, $0xb8;
	[tilespmem:$0x10600] =	vst v63  }
0xd8: {  	_ = 	snop  }
0xd9: {  	[tilespmem:s30], [sflag:$0x3] =	stream.indirect.gather [hbm4b:s0+s5], $0x1, s24, s5, $0xb8;
	[tilespmem:$0x10600] =	vst v63  }
0xda: {  	_ = 	snop  }
0xdb: {  	[tilespmem:s31], [sflag:$0x4] =	stream.indirect.gather [hbm4b:s0+s5], $0x1, s9, s5, $0xb8;
	[tilespmem:$0x10600] =	vst v63  }
0xdc: {  	_ =	swait.ge [sflag:s18], $0x80  }
0xdd: {  	[sflag:s18] =	ssyncset.done $0x0  }
0xde: {  	s19 =	simm.s32 $0x400;
	[sflag:s18] =	ssyncadd.s32 $0xFFFFFF80  }
0xdf: {  	[tilespmem:s19], [sflag:$0x5] =	stream.indirect.gather [hbm4b:s23+s5], $0x80, s26, s5, $0xb8;
	[tilespmem:$0x10600] =	vst v63  }
0xe0: {  	_ =	swait.ge [sflag:s16], $0x80  }
0xe1: {  	[sflag:s16] =	ssyncset.done $0x0  }
0xe2: {  	s22 =	simm.s32 $0x4400;
	[sflag:s16] =	ssyncadd.s32 $0xFFFFFF80  }
0xe3: {  	[tilespmem:s22], [sflag:$0x6] =	stream.indirect.gather [hbm4b:s23+s5], $0x80, s28, s5, $0xb8;
	[tilespmem:$0x10600] =	vst v63  }
0xe4: {  	_ =	swait.ge [sflag:s14], $0x80  }
0xe5: {  	[sflag:s14] =	ssyncset.done $0x0  }
0xe6: {  	s21 =	simm.s32 $0x8400;
	[sflag:s14] =	ssyncadd.s32 $0xFFFFFF80  }
0xe7: {  	[tilespmem:s21], [sflag:$0x7] =	stream.indirect.gather [hbm4b:s23+s5], $0x80, s30, s5, $0xb8;
	[tilespmem:$0x10600] =	vst v63  }
0xe8: {  	_ =	swait.ge [sflag:s13], $0x80  }
0xe9: {  	[sflag:s13] =	ssyncset.done $0x0  }
0xea: {  	s20 =	simm.s32 $0xC400;
	[sflag:s13] =	ssyncadd.s32 $0xFFFFFF80  }
0xeb: {  	[tilespmem:s20], [sflag:$0x8] =	stream.indirect.gather [hbm4b:s23+s5], $0x80, s31, s5, $0xb8;
	[tilespmem:$0x10600] =	vst v63  }
0xec: {  	s25 =	simm.s32 $0x10400  }
0xed: {  	[tilespmem:s25], [sflag:$0x1] =	stream.indirect.gather [hbm4b:s11+s5], $0x1, s26, s5, $0xb8;
	[tilespmem:$0x10600] =	vst v63  }
0xee: {  	s29 =	simm.s32 $0x10480  }
0xef: {  	[tilespmem:s29], [sflag:$0x2] =	stream.indirect.gather [hbm4b:s11+s5], $0x1, s28, s5, $0xb8;
	[tilespmem:$0x10600] =	vst v63  }
0xf0: {  	s15 =	simm.s32 $0x10500  }
0xf1: {  	[tilespmem:s15], [sflag:$0x3] =	stream.indirect.gather [hbm4b:s11+s5], $0x1, s30, s5, $0xb8;
	[tilespmem:$0x10600] =	vst v63  }
0xf2: {  	s30 =	simm.s32 $0x10580  }
0xf3: {  	[tilespmem:s30], [sflag:$0x4] =	stream.indirect.gather [hbm4b:s11+s5], $0x1, s31, s5, $0xb8;
	[tilespmem:$0x10600] =	vst v63  }
0xf4: {  	_ =	swait.ge [sflag:s17], $0x4000  }
0xf5: {  	[sflag:s17] =	ssyncset.done $0x0  }
0xf6: {  	[sflag:s17] =	ssyncadd.s32 $0xFFFFC000  }
0xf7: {  	[hbm4b:s4+s5] =	stream.indirect.scatter [tilespmem:s19], [sflag:$0x5], $0x80, s3, s5, $0xb8;
	[tilespmem:$0x10600] =	vst v63  }
0xf8: {  	_ =	swait.ge [sflag:s12], $0x4000  }
0xf9: {  	[sflag:s12] =	ssyncset.done $0x0  }
0xfa: {  	[sflag:s12] =	ssyncadd.s32 $0xFFFFC000  }
0xfb: {  	[hbm4b:s4+s5] =	stream.indirect.scatter [tilespmem:s22], [sflag:$0x6], $0x80, s5, s5, $0xb8;
	[tilespmem:$0x10600] =	vst v63  }
0xfc: {  	_ =	swait.ge [sflag:s10], $0x4000  }
0xfd: {  	[sflag:s10] =	ssyncset.done $0x0  }
0xfe: {  	s7 =	simm.s32 $0x100;
	[sflag:s10] =	ssyncadd.s32 $0xFFFFC000  }
0xff: {  	[hbm4b:s4+s5] =	stream.indirect.scatter [tilespmem:s21], [sflag:$0x7], $0x80, s7, s5, $0xb8;
	[tilespmem:$0x10600] =	vst v63  }
0x100: {  	_ =	swait.ge [sflag:s8], $0x4000  }
0x101: {  	[sflag:s8] =	ssyncset.done $0x0  }
0x102: {  	[sflag:s8] =	ssyncadd.s32 $0xFFFFC000  }
0x103: {  	[hbm4b:s4+s5] =	stream.indirect.scatter [tilespmem:s20], [sflag:$0x8], $0x80, s9, s5, $0xb8;
	[tilespmem:$0x10600] =	vst v63  }
0x104: {  	_ =	swait.ge [sflag:s18], $0x80  }
0x105: {  	[sflag:s18] =	ssyncset.done $0x0  }
0x106: {  	[sflag:s18] =	ssyncadd.s32 $0xFFFFFF80  }
0x107: {  	_ =	swait.ge [sflag:s16], $0x80  }
0x108: {  	[sflag:s16] =	ssyncset.done $0x0  }
0x109: {  	[sflag:s16] =	ssyncadd.s32 $0xFFFFFF80  }
0x10a: {  	_ =	swait.ge [sflag:s14], $0x80  }
0x10b: {  	[sflag:s14] =	ssyncset.done $0x0  }
0x10c: {  	[sflag:s14] =	ssyncadd.s32 $0xFFFFFF80  }
0x10d: {  	_ =	swait.ge [sflag:s13], $0x80  }
0x10e: {  	[sflag:s13] =	ssyncset.done $0x0  }
0x10f: {  	[sflag:s13] =	ssyncadd.s32 $0xFFFFFF80  }
0x110: {  	[hbm4b:s2+s5] =	stream.indirect.scatter [tilespmem:s25], [sflag:$0x9], $0x1, s3, s5, $0xb8;
	[tilespmem:$0x10600] =	vst v63  }
0x111: {  	_ = 	snop  }
0x112: {  	[hbm4b:s2+s5] =	stream.indirect.scatter [tilespmem:s29], [sflag:$0x9], $0x1, s5, s5, $0xb8;
	[tilespmem:$0x10600] =	vst v63  }
0x113: {  	_ = 	snop  }
0x114: {  	[hbm4b:s2+s5] =	stream.indirect.scatter [tilespmem:s15], [sflag:$0x9], $0x1, s7, s5, $0xb8;
	[tilespmem:$0x10600] =	vst v63  }
0x115: {  	_ = 	snop  }
0x116: {  	[hbm4b:s2+s5] =	stream.indirect.scatter [tilespmem:s30], [sflag:$0x9], $0x1, s9, s5, $0xb8;
	[tilespmem:$0x10600] =	vst v63  }
0x117: {  	_ =	swait.ge [sflag:s17], $0x4000  }
0x118: {  	[sflag:s17] =	ssyncset.done $0x0  }
0x119: {  	[sflag:s17] =	ssyncadd.s32 $0xFFFFC000  }
0x11a: {  	_ =	swait.ge [sflag:s6], $0x80  }
0x11b: {  	[sflag:s6] =	ssyncset.done $0x0  }
0x11c: {  	[sflag:s6] =	ssyncadd.s32 $0xFFFFFF80  }
0x11d: {  	_ =	swait.ge [sflag:s12], $0x4000  }
0x11e: {  	[sflag:s12] =	ssyncset.done $0x0  }
0x11f: {  	[sflag:s12] =	ssyncadd.s32 $0xFFFFC000  }
0x120: {  	_ =	swait.ge [sflag:s6], $0x80  }
0x121: {  	[sflag:s6] =	ssyncset.done $0x0  }
0x122: {  	[sflag:s6] =	ssyncadd.s32 $0xFFFFFF80  }
0x123: {  	_ =	swait.ge [sflag:s10], $0x4000  }
0x124: {  	[sflag:s10] =	ssyncset.done $0x0  }
0x125: {  	[sflag:s10] =	ssyncadd.s32 $0xFFFFC000  }
0x126: {  	_ =	swait.ge [sflag:s6], $0x80  }
0x127: {  	[sflag:s6] =	ssyncset.done $0x0  }
0x128: {  	[sflag:s6] =	ssyncadd.s32 $0xFFFFFF80  }
0x129: {  	_ =	swait.ge [sflag:s8], $0x4000  }
0x12a: {  	[sflag:s8] =	ssyncset.done $0x0  }
0x12b: {  	[sflag:s8] =	ssyncadd.s32 $0xFFFFC000  }
0x12c: {  	_ =	swait.ge [sflag:s6], $0x80  }
0x12d: {  	[sflag:s6] =	ssyncset.done $0x0  }
0x12e: {  	[sflag:s6] =	ssyncadd.s32 $0xFFFFFF80  }
0x12f: {  	_ =	sfence.sel $0x180000  }
0x130: {  	[bflag:$0x0] =	sbarrier.arrive $0xFFFF  }
0x131: {  	_ =	strace $0x9000004D  }
0x132: {  	s31 =	stileid.u32;
	[bflag:$0x2] =	sbarrier.arrive $0xFFFF  }
0x133: {  	p0 =	sne.s32 s31, $0x0;
	s0 =	rddreg [dreg:$0x5]  }
0x134: {  	s0 =	sadd.s32 @!p0 $0x100000, s0  }
0x135: {  	[sflag:s0] =	ssyncadd.tile.s32 @!p0 $0x1;
	_ =	shalt  }
.Lfunc_end2:
_tile_overlayer_lowered:
.L_overlay_start_2:
0x136: {  	(tag) =	ssettag $0x2  }
0x137: {  	s0 =	rddreg [dreg:$0x0];
	s2 =	stileid.u32  }
0x138: {  	s1 =	rddreg [dreg:$0x1];
	p0 =	sne.s32 s2, $0x0  }
0x139: {  	s3 =	rddreg [dreg:$0x2];
	[bflag:$0x3] =	sbarrier.arrive $0xFFFF;
	s2 =	simm.s32 @!p0 $0x1C0A  }
0x13a: {  	[timem:s3], [sflag:s2] =	dma.local @!p0 [hbm:s0], s1  }
0x13b: {  	s0 =	simm.s32 @!p0 $0xA  }
0x13c: {  	_ =	swait.ge @!p0 [sflag:s0], s1  }
0x13d: {  	s1 =	ssub.s32 @!p0 $0x0, s1;
	[sflag:s0] =	ssyncset.done @!p0 $0x0  }
0x13e: {  	[sflag:s0] =	ssyncadd.s32 @!p0 s1  }
0x13f: {  	[bflag:$0x3] =	sbarrier.arrive $0xFFFF  }
0x140: {  	_ =	shalt  }

// kernel: kernel.7.cloned.1.call-start
scs
__scs_entry_jumppad:
0x0: {  	(pc) =	sbr.rel $0x88, $3  }
0x1: {  	(tag) =	ssettag $0x0;
	lr =	simm.s32 $0x1  }
0x2: {  	[smem:$0x3F98] =	sst lr;
	_ =	strace $0xD0000000  }
0x3: {  	_ = 	snop  }
0x4: {  	_ = 	snop  }
0x5: {  	_ = 	snop  }
0x6: {  	_ = 	snop  }
0x7: {  	_ = 	snop  }
__scs_overlays_trampoline_lowered:
0x8: {  	[smem:$0x3FA7] =	sst s0  }
0x9: {  	[smem:$0x3FA8] =	sst s1  }
0xa: {  	[smem:$0x3FA9] =	sst s2  }
0xb: {  	[smem:$0x3FAA] =	sst s3  }
0xc: {  	[smem:$0x3FAB] =	sst s4  }
0xd: {  	[smem:$0x3FAC] =	sst s5  }
0xe: {  	[smem:$0x3FAD] =	sst s6  }
0xf: {  	[smem:$0x3FAE] =	sst s7  }
0x10: {  	[smem:$0x3FAF] =	sst s8  }
0x11: {  	[smem:$0x3FB0] =	sst s9;
	s0 =	simm.s32 @!p0 $0x0  }
0x12: {  	s1 =	sld [smem:$0x3F96];
	s0 =	simm.s32 @p0 $0x1  }
0x13: {  	[smem:$0x3FB1] =	sst s0;
	s0 =	simm.s32 @!p1 $0x0  }
0x14: {  	s2 =	sld [smem:$0x3F95];
	s0 =	simm.s32 @p1 $0x1  }
0x15: {  	[smem:$0x3FB2] =	sst s0;
	s0 =	simm.s32 @!p2 $0x0  }
0x16: {  	s3 =	sld [smem:$0x3FDB];
	s0 =	simm.s32 @p2 $0x1  }
0x17: {  	s4 =	simm.s32 $0x1BF5;
	[smem:$0x3FB4] =	sst s0  }
0x18: {  	s0 =	sld [smem:$0x3F97];
	_ =	swait.ge [sflag:s4], $0x0  }
0x19: {  	s7 =	sld [smem:$0x3F98]  }
0x1a: {  	s8 =	sadd.s32 $0xFFFFE003, lr  }
0x1b: {  	s9 =	sadd.s32 $0xFFFFFEF7, lr;
	s5 =	simm.s32 $0xFFFFFFFF;
	p2 =	slt.u32 s8, $0xFFFFF086  }
0x1c: {  	p1 =	slt.u32 s9, $0xF7A;
	s5 =	simm.s32 @!p2 $0x0  }
0x1d: {  	s5 =	simm.s32 @p1 $0x1;
	p0 =	seq.s32 s7, s2  }
0x1e: {  	s7 =	smul.u32 @!p0 $0xF7A, s2;
	p2 =	seq.s32 @!p0 s5, $0x0  }
0x1f: {  	s9 =	smul.u32 $0xF7A, s1;
	s8 =	simm.s32 @!p0 $0x1BF5;
	p2 =	por !p2, p0  }
0x20: {  	[sflag:s8] =	ssyncset.s32 @!p0 $0xFFFFF086;
	s6 =	sadd.s32 @!p0 s3, s7;
	s7 =	simm.s32 @!p0 $0x108  }
0x21: {  	s3 =	sadd.s32 s3, s9;
	s6 =	sadd.s32 @!p0 $0x88, s6;
	s7 =	simm.s32 @p2 $0x1082  }
0x22: {  	[simem:s7], [sflag:s8] =	dma.local @!p0 [hbm:s6], $0xF7A  }
0x23: {  	s9 =	sor.u32 $0xD0000000, s2;
	s6 =	simm.s32 $0x108;
	_ =	swait.ge @!p0 [sflag:s8], $0x0  }
0x24: {  	s3 =	sadd.s32 $0x88, s3;
	s6 =	simm.s32 @!p1 $0x1082;
	[sflag:s4] =	ssyncset.s32 $0xFFFFF086  }
0x25: {  	[simem:s6], [sflag:s4] =	dma.local [hbm:s3], $0xF7A  }
0x26: {  	[smem:$0x3F98] =	sst s1;
	(tag) =	ssettag s2;
	_ =	strace s9  }
0x27: {  	s1 =	sld [smem:$0x3FA8]  }
0x28: {  	s2 =	sld [smem:$0x3FA9]  }
0x29: {  	s4 =	sld [smem:$0x3FAB]  }
0x2a: {  	p0 =	seq.s32 s5, $0x0;
	s5 =	sld [smem:$0x3FAC]  }
0x2b: {  	s6 =	sld [smem:$0x3FAD]  }
0x2c: {  	s7 =	sld [smem:$0x3FAE]  }
0x2d: {  	s3 =	simm.s32 $0x108;
	s8 =	sld [smem:$0x3FAF]  }
0x2e: {  	s3 =	simm.s32 @!p0 $0x1082;
	s9 =	sld [smem:$0x3FB0]  }
0x2f: {  	lr =	sadd.s32 s0, s3;
	s0 =	sld [smem:$0x3FA7]  }
0x30: {  	s3 =	sld [smem:$0x3FAA]  }
0x31: {  	[smem:$0x3FB3] =	sst s10  }
0x32: {  	s10 =	sld [smem:$0x3FB1];
	_ =	sdelay $0x3  }
0x33: {  	p0 =	seq.s32 s10, $0x1;
	s10 =	sld [smem:$0x3FB3];
	_ =	sdelay $0x3  }
0x34: {  	[smem:$0x3FB3] =	sst s10  }
0x35: {  	s10 =	sld [smem:$0x3FB2];
	_ =	sdelay $0x3  }
0x36: {  	p1 =	seq.s32 s10, $0x1;
	s10 =	sld [smem:$0x3FB3];
	_ =	sdelay $0x3  }
0x37: {  	[smem:$0x3FB3] =	sst s10  }
0x38: {  	s10 =	sld [smem:$0x3FB4]  }
0x39: {  	_ = 	snop;
	(pc) =	sbr.ind lr, $3  }
0x3a: {  	_ = 	snop  }
0x3b: {  	_ = 	snop  }
0x3c: {  	p2 =	seq.s32 s10, $0x1;
	s10 =	sld [smem:$0x3FB3]  }
0x3d: {  	_ =	shalt  }
0x3e: {  	_ =	shalt  }
0x3f: {  	_ =	shalt  }
0x40: {  	_ =	shalt  }
0x41: {  	_ =	shalt  }
0x42: {  	_ =	shalt  }
0x43: {  	_ =	shalt  }
0x44: {  	_ =	shalt  }
0x45: {  	_ =	shalt  }
0x46: {  	_ =	shalt  }
0x47: {  	_ =	shalt  }
0x48: {  	_ =	shalt  }
0x49: {  	_ =	shalt  }
0x4a: {  	_ =	shalt  }
0x4b: {  	_ =	shalt  }
0x4c: {  	_ =	shalt  }
0x4d: {  	_ =	shalt  }
0x4e: {  	_ =	shalt  }
0x4f: {  	_ =	shalt  }
0x50: {  	_ =	shalt  }
0x51: {  	_ =	shalt  }
0x52: {  	_ =	shalt  }
0x53: {  	_ =	shalt  }
0x54: {  	_ =	shalt  }
0x55: {  	_ =	shalt  }
0x56: {  	_ =	shalt  }
0x57: {  	_ =	shalt  }
0x58: {  	_ =	shalt  }
0x59: {  	_ =	shalt  }
0x5a: {  	_ =	shalt  }
0x5b: {  	_ =	shalt  }
0x5c: {  	_ =	shalt  }
0x5d: {  	_ =	shalt  }
0x5e: {  	_ =	shalt  }
0x5f: {  	_ =	shalt  }
0x60: {  	_ =	shalt  }
0x61: {  	_ =	shalt  }
0x62: {  	_ =	shalt  }
0x63: {  	_ =	shalt  }
0x64: {  	_ =	shalt  }
0x65: {  	_ =	shalt  }
0x66: {  	_ =	shalt  }
0x67: {  	_ =	shalt  }
0x68: {  	_ =	shalt  }
0x69: {  	_ =	shalt  }
0x6a: {  	_ =	shalt  }
0x6b: {  	_ =	shalt  }
0x6c: {  	_ =	shalt  }
0x6d: {  	_ =	shalt  }
0x6e: {  	_ =	shalt  }
0x6f: {  	_ =	shalt  }
0x70: {  	_ =	shalt  }
0x71: {  	_ =	shalt  }
0x72: {  	_ =	shalt  }
0x73: {  	_ =	shalt  }
0x74: {  	_ =	shalt  }
0x75: {  	_ =	shalt  }
0x76: {  	_ =	shalt  }
0x77: {  	_ =	shalt  }
0x78: {  	_ =	shalt  }
0x79: {  	_ =	shalt  }
0x7a: {  	_ =	shalt  }
0x7b: {  	_ =	shalt  }
0x7c: {  	_ =	shalt  }
0x7d: {  	_ =	shalt  }
0x7e: {  	_ =	shalt  }
0x7f: {  	_ =	shalt  }
0x80: {  	_ =	shalt  }
0x81: {  	_ =	shalt  }
0x82: {  	_ =	shalt  }
0x83: {  	_ =	shalt  }
0x84: {  	_ =	shalt  }
0x85: {  	_ =	shalt  }
0x86: {  	_ =	shalt  }
0x87: {  	_ =	shalt  }
.Lfunc_end0:
.L_simem_size_0:
called_computation_lowered:
.L_overlay_start_0:
0x88: {  	s2 =	sld [smem:$0x3FD9]  }
0x89: {  	s3 =	sld [smem:$0x3FFE];
	_ =	sdelay $0x1  }
0x8a: {  	s1 =	srdreg.scid  }
0x8b: {  	s0 =	sand.u32 $0x1, s1  }
0x8c: {  	s17 =	sshll.u32 s0, $0xA;
	s2 =	sadd.s32 s3, s2  }
0x8d: {  	s2 =	sadd.s32 s2, s17  }
0x8e: {  	[smem:$0x3FBF] =	sst s2  }
0x8f: {  	_ = 	snop  }
0x90: {  	s2 =	sld [smem:$0x3FC9]  }
0x91: {  	s18 =	sld [smem:$0x3FC7];
	(tm) =	ssettm $0x1  }
0x92: {  	s4 =	sld [smem:$0x3FFB];
	_ =	sdelay $0x3  }
0x93: {  	_ =	strace s4  }
0x94: {  	s4 =	sld [smem:$0x3FFC];
	_ =	sdelay $0x3  }
0x95: {  	_ =	strace s4  }
0x96: {  	s4 =	sld [smem:$0x3FFD];
	_ =	sdelay $0x3  }
0x97: {  	_ =	strace s4  }
0x98: {  	_ =	strace $0x8FFFFFFF  }
0x99: {  	s19 =	sld [smem:$0x3FDB];
	_ =	sdelay $0x1  }
0x9a: {  	s5 =	simm.s32 $_scs_section_size  }
0x9b: {  	s6 =	simm.s32 $_size__tile_overlayer_lowered;
	s7 =	simm.s32 $_tile_overlayer_lowered  }
0x9c: {  	s22 =	simm.s32 $0x1BFF;
	s21 =	sshll.u32 s7, $0x1;
	s4 =	sadd.s32 s5, s19  }
0x9d: {  	s8 =	simm.s32 $0x0;
	s20 =	sshll.u32 s6, $0x1;
	s6 =	sadd.s32 s21, s4  }
0x9e: {  	[timem:s8], [sflag:s22] =	dma.local [hbm:s6], s20  }
0x9f: {  	_ =	swait.ge [sflag:s22], s20  }
0xa0: {  	s5 =	ssub.s32 $0x0, s20;
	[sflag:s22] =	ssyncset.done $0x0  }
0xa1: {  	[sflag:s22] =	ssyncadd.s32 s5;
	_ =	sdelay $0x1  }
0xa2: {  	s23 =	simm.s32 $0x1B8B  }
0xa3: {  	_ =	swait.ge [sflag:s23], $0x1  }
0xa4: {  	[sflag:s23] =	ssyncset.done $0x0  }
0xa5: {  	s25 =	simm.s32 $0x1B8E;
	s24 =	sld [smem:$0x3FFE];
	[sflag:s23] =	ssyncadd.s32 $0xFFFFFFFF  }
0xa6: {  	s26 =	simm.s32 $execute0_lowered;
	[smem:$0x3FD2] =	sst s25  }
0xa7: {  	s6 =	sshll.u32 s26, $0x1;
	_ =	strace $0x80000046;
	[dreg:$0x1] =	wrdreg $0xFFFFFFFF  }
0xa8: {  	s28 =	simm.s32 $_size_execute0_lowered;
	s4 =	sadd.s32 s4, s6;
	[dreg:$0x0] =	wrdreg $0x0  }
0xa9: {  	s6 =	sshll.u32 s28, $0x1;
	[dreg:$0x2] =	wrdreg s4  }
0xaa: {  	[dreg:$0x3] =	wrdreg s6  }
0xab: {  	[dreg:$0x4] =	wrdreg $0xC0  }
0xac: {  	_ =	task [dreg:s8], $0x5FFFF  }
0xad: {  	[dreg:$0x1] =	wrdreg $0xFFFFFFFF  }
0xae: {  	[dreg:$0x0] =	wrdreg $0x60  }
0xaf: {  	[dreg:$0x2] =	wrdreg s2  }
0xb0: {  	[dreg:$0x3] =	wrdreg s18  }
0xb1: {  	[dreg:$0x4] =	wrdreg s24  }
0xb2: {  	[dreg:$0x5] =	wrdreg $0x9  }
0xb3: {  	_ =	task.clear_ibuf [dreg:s8], $0x6FFFF;
	_ =	strace $0x90000046  }
0xb4: {  	s29 =	simm.s32 $0x9;
	_ =	strace $0x80000048  }
0xb5: {  	_ =	swait.ge [sflag:s29], $0x1  }
0xb6: {  	[sflag:s29] =	ssyncadd.s32 $0xFFFFFFFF  }
0xb7: {  	_ =	strace $0x90000048  }
0xb8: {  	_ =	sfence  }
0xb9: {  	s30 =	sld [smem:$0x0];
	_ =	sdelay $0x2  }
0xba: {  	s31 =	sshll.u32 s1, $0xD;
	s1 =	sshrl.u32 s1, $0x2  }
0xbb: {  	s3 =	sand.u32 $0x4000, s31;
	s1 =	sadd.s32 s1, s30  }
0xbc: {  	s0 =	sor.u32 s3, s0;
	s1 =	sshll.u32 s1, $0x11  }
0xbd: {  	s0 =	sor.u32 s1, s0  }
0xbe: {  	s0 =	sadd.s32 $0x8F2B, s0  }
0xbf: {  	[sflag:s0] =	ssyncadd.remote.s32 $0x1  }
0xc0: {  	_ =	sfence.sel $0xFFFF  }
0xc1: {  	[dreg:$0x0] =	wrdreg $0xFFFFFFFF;
	(pc) =	sbr.abs _section_cstart, $3  }
0xc2: {  	[dreg:$0x1] =	wrdreg $0xFFFFFFFF  }
0xc3: {  	_ =	task.clear_ibuf [dreg:s8], $0x2FFFF;
	_ =	strace $0x9FFFFFFF  }
0xc4: {  	(tm) =	ssettm $0x7FFFFFFF  }
0xc5: {  	_ =	shalt  }
tec
execute0_lowered:
.L_overlay_start_1:
0x0: {  	(tag) =	ssettag $0x1  }
0x1: {  	s1 =	rddreg [dreg:$0x0];
	s2 =	srdreg.scid  }
0x2: {  	s4 =	rddreg [dreg:$0x1];
	s0 =	stileid.u32  }
0x3: {  	s8 =	rddreg [dreg:$0x2];
	s3 =	simm.s32 $0x0;
	s6 =	sand.u32 $0x1, s2  }
0x4: {  	s5 =	sshll.u32 s0, $0xA;
	s2 =	rddreg [dreg:$0x3];
	s7 =	sshll.u32 s6, $0x9  }
0x5: {  	[smem:$0x7FF] =	sst s3;
	s9 =	sor.u32 s7, s5  }
0x6: {  	_ =	strace $0x80000047;
	s10 =	ssub.s32 $0x2, s6;
	s5 =	sshrl.u32 s9, $0x3  }
0x7: {  	s6 =	simm.s32 $0x200;
	s5 =	sadd.s32 s4, s5;
	s4 =	simm.s32 $0x2  }
0x8: {  	[tilespmem:s3], [sflag:$0x2] =	stream.linear.gather [hbm4b:s5+s3], $0x200, $0x38;
	[tilespmem:$0x10200] =	vst v63  }
0x9: {  	s7 =	simm.s32 $0x1;
	s11 =	sshrl.u32 s10, $0x1;
	_ =	swait.ge [sflag:s4], $0x200  }
0xa: {  	s9 =	sshll.u32 s9, $0x4;
	s31 =	ssub.s32 s10, s11;
	[sflag:s4] =	ssyncset.done $0x0  }
0xb: {  	s8 =	sadd.s32 s9, s8;
	s9 =	smax.u32 s31, $0x1;
	[sflag:s4] =	ssyncadd.s32 $0xFFFFFE00  }
0xc: {  	[tilespmem:s6], [sflag:$0x1] =	stream.indirect.gather [hbm4b:s1+s6], $0x80, s3, s6, $0xb8;
	[tilespmem:$0x10200] =	vst v63  }
0xd: {  	p0 =	sne.s32 s9, $0x1;
	_ =	swait.ge [sflag:s7], $0x10000  }
.Ltmp0:
0xe: {  	[sflag:s7] =	ssyncset.done $0x0;
	(pc) =	sbr.rel @!p0 .LBB2_2-.Ltmp0, $4  }
0xf: {  	s8 =	sadd.s32 $0x1A00, s8;
	[sflag:s7] =	ssyncadd.s32 $0xFFFF0000  }
0x10: {  	[hbm4b:s8+s3] =	stream.linear.scatter [tilespmem:s6], [sflag:$0x2], $0x10000, $0x38;
	[tilespmem:$0x10200] =	vst v63  }
0x11: {  	_ =	swait.ge [sflag:s4], $0x10000  }
0x12: {  	s9 =	sadd.s32 $0xFFFFFFFF, s9;
	[sflag:s4] =	ssyncset.done $0x0  }
.LBB2_1:
0x13: {  	p0 =	sne.s32 s9, $0x1;
	s9 =	sadd.s32 $0xFFFFFFFF, s9;
	[sflag:s4] =	ssyncadd.s32 $0xFFFF0000  }
0x14: {  	[tilespmem:s3], [sflag:$0x2] =	stream.linear.gather [hbm4b:s5+s3], $0x200, $0x38;
	[tilespmem:$0x10200] =	vst v63  }
0x15: {  	_ =	swait.ge [sflag:s4], $0x200  }
0x16: {  	[sflag:s4] =	ssyncset.done $0x0  }
0x17: {  	[sflag:s4] =	ssyncadd.s32 $0xFFFFFE00  }
0x18: {  	[tilespmem:s6], [sflag:$0x1] =	stream.indirect.gather [hbm4b:s1+s6], $0x80, s3, s6, $0xb8;
	[tilespmem:$0x10200] =	vst v63  }
0x19: {  	_ =	swait.ge [sflag:s7], $0x10000  }
.Ltmp1:
0x1a: {  	[sflag:s7] =	ssyncset.done $0x0;
	(pc) =	sbr.rel @p0 .LBB2_1-.Ltmp1, $4  }
0x1b: {  	[sflag:s7] =	ssyncadd.s32 $0xFFFF0000  }
0x1c: {  	[hbm4b:s8+s3] =	stream.linear.scatter [tilespmem:s6], [sflag:$0x2], $0x10000, $0x38;
	[tilespmem:$0x10200] =	vst v63  }
0x1d: {  	_ =	swait.ge [sflag:s4], $0x10000  }
0x1e: {  	[sflag:s4] =	ssyncset.done $0x0  }
.LBB2_2:
0x1f: {  	[sflag:s4] =	ssyncadd.s32 $0xFFFF0000  }
0x20: {  	_ =	sfence.sel $0x180000  }
0x21: {  	[bflag:$0x0] =	sbarrier.arrive $0xFFFF  }
0x22: {  	p0 =	sne.s32 s0, $0x0;
	_ =	strace $0x90000047  }
0x23: {  	s0 =	sadd.s32 @!p0 $0x100000, s2;
	[bflag:$0x2] =	sbarrier.arrive $0xFFFF  }
0x24: {  	[sflag:s0] =	ssyncadd.tile.s32 @!p0 $0x1;
	_ =	shalt  }
.Lfunc_end2:
_tile_overlayer_lowered:
.L_overlay_start_2:
0x25: {  	(tag) =	ssettag $0x2  }
0x26: {  	s0 =	rddreg [dreg:$0x0];
	s2 =	stileid.u32  }
0x27: {  	s1 =	rddreg [dreg:$0x1];
	p0 =	sne.s32 s2, $0x0  }
0x28: {  	s3 =	rddreg [dreg:$0x2];
	[bflag:$0x3] =	sbarrier.arrive $0xFFFF;
	s2 =	simm.s32 @!p0 $0x1C02  }
0x29: {  	[timem:s3], [sflag:s2] =	dma.local @!p0 [hbm:s0], s1  }
0x2a: {  	s0 =	simm.s32 @!p0 $0x2  }
0x2b: {  	_ =	swait.ge @!p0 [sflag:s0], s1  }
0x2c: {  	s1 =	ssub.s32 @!p0 $0x0, s1;
	[sflag:s0] =	ssyncset.done @!p0 $0x0  }
0x2d: {  	[sflag:s0] =	ssyncadd.s32 @!p0 s1  }
0x2e: {  	[bflag:$0x3] =	sbarrier.arrive $0xFFFF  }
0x2f: {  	_ =	shalt  }

</sc_bundles>
